<compile_context>
chip_gen: v7x
topology: tpu7x:2x2x1
jax: 0.10.2.dev20260603
libtpu: 0.0.44.dev20260713+nightly
codegen_flags: <defaults>
</compile_context>

<pallas_src>
import functools

import jax
import jax.numpy as jnp
from jax import lax
from jax.experimental import pallas as pl
from jax.experimental.pallas import tpu as pltpu
from jax.experimental.pallas import tpu_sc as plsc

N, S, D = 1, 2048, 768
OUT = 768
E = 8
TOP_K = 2

TILE_R = 128
NTILES = 40
NSLOT = NTILES * TILE_R
EPR_PAD = 64

NW = 32
TPW = S // NW


def _route_kernel(x_ref, wg_ref, bg_ref, pos_ref, epr_ref):
    x = x_ref[...]
    logits = lax.dot_general(
        x, wg_ref[...], (((1,), (1,)), ((), ())),
        preferred_element_type=jnp.float32)
    logits = logits + bg_ref[...]

    lane = lax.broadcasted_iota(jnp.int32, (S, E), 1)
    big = jnp.int32(E)
    m1 = jnp.max(logits, axis=1, keepdims=True)
    a1 = jnp.min(jnp.where(logits == m1, lane, big), axis=1, keepdims=True)
    logits2 = jnp.where(lane == a1, jnp.float32(-jnp.inf), logits)
    m2 = jnp.max(logits2, axis=1, keepdims=True)
    a2 = jnp.min(jnp.where(logits2 == m2, lane, big), axis=1, keepdims=True)
    mask = ((lane == a1) | (lane == a2)).astype(jnp.float32)

    c = mask
    sh = 1
    while sh < S:
        shifted = jnp.concatenate(
            [jnp.zeros((sh, E), jnp.float32), c[: S - sh]], axis=0)
        c = c + shifted
        sh *= 2
    cx = c - mask
    counts = c[S - 1:S, :]

    seg = jnp.ceil(counts * (1.0 / TILE_R)) * float(TILE_R)
    aseg = seg
    sh = 1
    while sh < E:
        shifted = jnp.concatenate(
            [jnp.zeros((1, sh), jnp.float32), aseg[:, : E - sh]], axis=1)
        aseg = aseg + shifted
        sh *= 2
    astart = aseg - seg

    posmat = astart + cx
    sel0 = jnp.sum(jnp.where(lane == a1, posmat, 0.0), axis=1, keepdims=True)
    sel1 = jnp.sum(jnp.where(lane == a2, posmat, 0.0), axis=1, keepdims=True)
    pos = jnp.where(lane == 0, sel0, jnp.where(lane == 1, sel1, 0.0))
    pos_ref[...] = pos.astype(jnp.int32)

    tile_start = lax.broadcasted_iota(
        jnp.int32, (E, EPR_PAD), 1).astype(jnp.float32) * float(TILE_R)
    astart_col = jnp.broadcast_to(
        astart.reshape(E, 1), (E, EPR_PAD))
    ge = (tile_start >= astart_col).astype(jnp.float32)
    epr = jnp.sum(ge, axis=0, keepdims=True) - 1.0
    epr = jnp.clip(epr, 0.0, float(E - 1))
    epr_ref[...] = epr.astype(jnp.int32)


def _route(x2, Wg, bg2):
    return pl.pallas_call(
        _route_kernel,
        in_specs=[
            pl.BlockSpec((S, D), lambda: (0, 0)),
            pl.BlockSpec((E, D), lambda: (0, 0)),
            pl.BlockSpec((1, E), lambda: (0, 0)),
        ],
        out_specs=[
            pl.BlockSpec((S, E), lambda: (0, 0)),
            pl.BlockSpec((1, EPR_PAD), lambda: (0, 0)),
        ],
        out_shape=[
            jax.ShapeDtypeStruct((S, E), jnp.int32),
            jax.ShapeDtypeStruct((1, EPR_PAD), jnp.int32),
        ],
    )(x2, Wg, bg2)


def _scatter_body(x_hbm, post_hbm, xg_hbm, idx0_v, idx1_v, rows_v, sem):
    wid = lax.axis_index("s") * 2 + lax.axis_index("c")
    base = wid * TPW
    pltpu.sync_copy(post_hbm.at[0, pl.ds(base, TPW)], idx0_v)
    pltpu.sync_copy(post_hbm.at[1, pl.ds(base, TPW)], idx1_v)
    pltpu.sync_copy(x_hbm.at[pl.ds(base, TPW)], rows_v)
    c0 = pltpu.async_copy(rows_v, xg_hbm.at[idx0_v], sem)
    c1 = pltpu.async_copy(rows_v, xg_hbm.at[idx1_v], sem)
    c0.wait()
    c1.wait()


def _scatter(x2, posT):
    mesh = plsc.VectorSubcoreMesh(core_axis_name="c", subcore_axis_name="s")
    f = functools.partial(
        pl.kernel,
        mesh=mesh,
        out_type=jax.ShapeDtypeStruct((NSLOT, D), jnp.float32),
        scratch_types=[
            pltpu.VMEM((TPW,), jnp.int32),
            pltpu.VMEM((TPW,), jnp.int32),
            pltpu.VMEM((TPW, D), jnp.float32),
            pltpu.SemaphoreType.DMA,
        ],
    )(_scatter_body)
    return f(x2, posT)


def _mm_kernel(epr_sref, xg_ref, we_ref, be_ref, y_ref):
    acc = lax.dot_general(
        xg_ref[...], we_ref[0], (((1,), (0,)), ((), ())),
        preferred_element_type=jnp.float32)
    y_ref[...] = jnp.maximum(acc + be_ref[0], 0.0)


def _grouped_mm(xg, We, be, epr):
    grid_spec = pltpu.PrefetchScalarGridSpec(
        num_scalar_prefetch=1,
        grid=(NTILES,),
        in_specs=[
            pl.BlockSpec((TILE_R, D), lambda i, epr_s: (i, 0)),
            pl.BlockSpec((1, D, OUT), lambda i, epr_s: (epr_s[i], 0, 0)),
            pl.BlockSpec((1, 1, OUT), lambda i, epr_s: (epr_s[i], 0, 0)),
        ],
        out_specs=pl.BlockSpec((TILE_R, OUT), lambda i, epr_s: (i, 0)),
    )
    return pl.pallas_call(
        _mm_kernel,
        grid_spec=grid_spec,
        out_shape=jax.ShapeDtypeStruct((NSLOT, OUT), jnp.float32),
    )(epr, xg, We, be.reshape(E, 1, OUT))


def _combine_body(y_hbm, post_hbm, out_hbm, idx0_v, idx1_v, r0_v, r1_v, sem):
    wid = lax.axis_index("s") * 2 + lax.axis_index("c")
    base = wid * TPW
    pltpu.sync_copy(post_hbm.at[0, pl.ds(base, TPW)], idx0_v)
    pltpu.sync_copy(post_hbm.at[1, pl.ds(base, TPW)], idx1_v)
    c0 = pltpu.async_copy(y_hbm.at[idx0_v], r0_v, sem)
    c1 = pltpu.async_copy(y_hbm.at[idx1_v], r1_v, sem)
    c0.wait()
    c1.wait()

    def body(j, _):
        for cchunk in range(OUT // 16):
            sl = pl.ds(cchunk * 16, 16)
            r0_v[j, sl] = (r0_v[j, sl] + r1_v[j, sl]) * jnp.float32(0.5)
        return 0

    lax.fori_loop(0, TPW, body, 0)
    pltpu.sync_copy(r0_v, out_hbm.at[pl.ds(base, TPW)])


def _combine(y, posT):
    mesh = plsc.VectorSubcoreMesh(core_axis_name="c", subcore_axis_name="s")
    f = functools.partial(
        pl.kernel,
        mesh=mesh,
        out_type=jax.ShapeDtypeStruct((S, OUT), jnp.float32),
        scratch_types=[
            pltpu.VMEM((TPW,), jnp.int32),
            pltpu.VMEM((TPW,), jnp.int32),
            pltpu.VMEM((TPW, OUT), jnp.float32),
            pltpu.VMEM((TPW, OUT), jnp.float32),
            pltpu.SemaphoreType.DMA,
        ],
    )(_combine_body)
    return f(y, posT)


def kernel(x, Wg, bg, We, be):
    x2 = x.reshape(S, D)
    bg2 = bg.reshape(1, E)
    pos, epr = _route(x2, Wg, bg2)
    posT = jnp.transpose(pos[:, :TOP_K])
    xg = _scatter(x2, posT)
    y = _grouped_mm(xg, We, be, epr.reshape(EPR_PAD))
    out = _combine(y, posT)
    return out.reshape(N, S, OUT)

# --- scband reference (transcript-rebuilt; emitter-appended) ---
"""Pipeline reference for scband-hard-mo-e-47802986004697 (READ-ONLY COPY).

The authoritative reference and input builder live on the scoring server;
editing this copy changes nothing except your own understanding.
"""

import jax, jax.numpy as jnp
import numpy as np

N, S, D = 1, 2048, 768
OUT = 768
E = 8
TOP_K = 2


def setup_inputs(seed: int = 0) -> dict:
    key = jax.random.key(seed)
    ks = jax.random.split(key, 5)
    x = jax.random.normal(ks[0], (N, S, D), dtype=jnp.float32)
    # gate: Linear(D -> E)
    Wg = jax.random.normal(ks[1], (E, D), dtype=jnp.float32) * (1.0 / np.sqrt(D))
    bg = jnp.zeros((E,), dtype=jnp.float32)
    # experts: E x Linear(D -> OUT), stored as [E, D, OUT] for x @ W
    We = jax.random.normal(ks[2], (E, D, OUT), dtype=jnp.float32) * (1.0 / np.sqrt(D))
    be = jnp.zeros((E, OUT), dtype=jnp.float32)
    return {"x": x, "Wg": Wg, "bg": bg, "We": We, "be": be}


def reference(x, Wg, bg, We, be):
    # gate_output = self.gate(x)  -> [N, S, E]
    gate_output = jnp.einsum('nsd,ed->nse', x, Wg) + bg
    # top_values, top_indices = torch.topk(gate_output, top_k, dim=-1)
    top_values, top_indices = jax.lax.top_k(gate_output, TOP_K)  # [N, S, K]
    # expert_outputs[i, t, j] = relu(Linear_{expert_index}(x[i, t]))
    # compute all experts then gather selected ones (mathematically identical)
    all_out = jnp.einsum('nsd,edo->nseo', x, We) + be  # [N, S, E, OUT]
    all_out = jax.nn.relu(all_out)
    idx = top_indices[..., None]  # [N, S, K, 1]
    expert_outputs = jnp.take_along_axis(all_out, idx, axis=2)  # [N, S, K, OUT]
    # output = expert_outputs.mean(dim=2)
    output = expert_outputs.mean(axis=2)  # [N, S, OUT]
    return output

if __name__ == "__main__":
    import jax
    _d = setup_inputs()
    print(jax.jit(kernel)(*tuple(_d.values())))

</pallas_src>

<mosaic_0001>
#map = affine_map<(d0, d1) -> (0, 0)>
module attributes {stable_mosaic.version = 14 : i64} {
  func.func @_combine_body(%arg0: i32, %arg1: i32, %arg2: memref<5120x768xf32, #tpu.memory_space<hbm>>, %arg3: memref<2x2048xi32, #tpu.memory_space<hbm>>, %arg4: memref<2048x768xf32, #tpu.memory_space<hbm>>, %arg5: memref<64xi32, #tpu.memory_space<vmem>>, %arg6: memref<64xi32, #tpu.memory_space<vmem>>, %arg7: memref<64x768xf32, #tpu.memory_space<vmem>>, %arg8: memref<64x768xf32, #tpu.memory_space<vmem>>, %arg9: memref<!tpu.dma_semaphore, #tpu.memory_space<semaphore_mem>>) attributes {dimension_semantics = [#tpu.dimension_semantics<core_parallel>, #tpu.dimension_semantics<subcore_parallel>], iteration_bounds = array<i64: 2, 16>, scalar_prefetch = 0 : i64, scratch_operands = 5 : i64, tpu.core_type = #tpu.core_type<sc_vector_subcore>, window_params = [{transform_indices = #map}, {transform_indices = #map}, {transform_indices = #map}]} {
    %mul3A = arith.constant 2 : i32
    %mul3A_0 = arith.muli %arg1, %mul3A : i32
    %add3A = arith.addi %mul3A_0, %arg0 : i32
    %mul3A_1 = arith.constant 64 : i32
    %mul3A_2 = arith.muli %add3A, %mul3A_1 : i32
    %run_scoped3A = arith.constant 0 : i32
    "tpu.region"() ({
      %run_scoped3A_20 = tpu.sem_alloc : memref<!tpu.dma_semaphore, #tpu.memory_space<semaphore_mem>>
      %dma_start3A_21 = tpu.memref_slice %arg3[%run_scoped3A, %mul3A_2] : memref<2x2048xi32, #tpu.memory_space<hbm>> -> memref<1x64xi32, #tpu.memory_space<hbm>>
      %dma_start3A_22 = tpu.memref_squeeze %dma_start3A_21 : memref<1x64xi32, #tpu.memory_space<hbm>> -> memref<64xi32, #tpu.memory_space<hbm>>
      %dma_start3A_23 = tpu.memref_slice %arg3[%run_scoped3A, %mul3A_2] : memref<2x2048xi32, #tpu.memory_space<hbm>> -> memref<1x64xi32, #tpu.memory_space<hbm>>
      %dma_start3A_24 = tpu.memref_squeeze %dma_start3A_23 : memref<1x64xi32, #tpu.memory_space<hbm>> -> memref<64xi32, #tpu.memory_space<hbm>>
      tpu.enqueue_dma source(%dma_start3A_24 : memref<64xi32, #tpu.memory_space<hbm>>) target(%arg5 : memref<64xi32, #tpu.memory_space<vmem>>) target_semaphore(%run_scoped3A_20 : memref<!tpu.dma_semaphore, #tpu.memory_space<semaphore_mem>>)
      %dma_wait3A_25 = tpu.memref_slice %arg3[%run_scoped3A, %mul3A_2] : memref<2x2048xi32, #tpu.memory_space<hbm>> -> memref<1x64xi32, #tpu.memory_space<hbm>>
      %dma_wait3A_26 = tpu.memref_squeeze %dma_wait3A_25 : memref<1x64xi32, #tpu.memory_space<hbm>> -> memref<64xi32, #tpu.memory_space<hbm>>
      %dma_wait3A_27 = tpu.memref_slice %arg3[%run_scoped3A, %mul3A_2] : memref<2x2048xi32, #tpu.memory_space<hbm>> -> memref<1x64xi32, #tpu.memory_space<hbm>>
      %dma_wait3A_28 = tpu.memref_squeeze %dma_wait3A_27 : memref<1x64xi32, #tpu.memory_space<hbm>> -> memref<64xi32, #tpu.memory_space<hbm>>
      tpu.wait_dma2 semaphore(%run_scoped3A_20 : memref<!tpu.dma_semaphore, #tpu.memory_space<semaphore_mem>>) src(%dma_wait3A_28 : memref<64xi32, #tpu.memory_space<hbm>>) dst(%arg5 : memref<64xi32, #tpu.memory_space<vmem>>)
      tpu.yield
    }) : () -> ()
    %run_scoped3A_3 = arith.constant 1 : i32
    "tpu.region"() ({
      %run_scoped3A_20 = tpu.sem_alloc : memref<!tpu.dma_semaphore, #tpu.memory_space<semaphore_mem>>
      %dma_start3A_21 = tpu.memref_slice %arg3[%run_scoped3A_3, %mul3A_2] : memref<2x2048xi32, #tpu.memory_space<hbm>> -> memref<1x64xi32, #tpu.memory_space<hbm>>
      %dma_start3A_22 = tpu.memref_squeeze %dma_start3A_21 : memref<1x64xi32, #tpu.memory_space<hbm>> -> memref<64xi32, #tpu.memory_space<hbm>>
      %dma_start3A_23 = tpu.memref_slice %arg3[%run_scoped3A_3, %mul3A_2] : memref<2x2048xi32, #tpu.memory_space<hbm>> -> memref<1x64xi32, #tpu.memory_space<hbm>>
      %dma_start3A_24 = tpu.memref_squeeze %dma_start3A_23 : memref<1x64xi32, #tpu.memory_space<hbm>> -> memref<64xi32, #tpu.memory_space<hbm>>
      tpu.enqueue_dma source(%dma_start3A_24 : memref<64xi32, #tpu.memory_space<hbm>>) target(%arg6 : memref<64xi32, #tpu.memory_space<vmem>>) target_semaphore(%run_scoped3A_20 : memref<!tpu.dma_semaphore, #tpu.memory_space<semaphore_mem>>)
      %dma_wait3A_25 = tpu.memref_slice %arg3[%run_scoped3A_3, %mul3A_2] : memref<2x2048xi32, #tpu.memory_space<hbm>> -> memref<1x64xi32, #tpu.memory_space<hbm>>
      %dma_wait3A_26 = tpu.memref_squeeze %dma_wait3A_25 : memref<1x64xi32, #tpu.memory_space<hbm>> -> memref<64xi32, #tpu.memory_space<hbm>>
      %dma_wait3A_27 = tpu.memref_slice %arg3[%run_scoped3A_3, %mul3A_2] : memref<2x2048xi32, #tpu.memory_space<hbm>> -> memref<1x64xi32, #tpu.memory_space<hbm>>
      %dma_wait3A_28 = tpu.memref_squeeze %dma_wait3A_27 : memref<1x64xi32, #tpu.memory_space<hbm>> -> memref<64xi32, #tpu.memory_space<hbm>>
      tpu.wait_dma2 semaphore(%run_scoped3A_20 : memref<!tpu.dma_semaphore, #tpu.memory_space<semaphore_mem>>) src(%dma_wait3A_28 : memref<64xi32, #tpu.memory_space<hbm>>) dst(%arg6 : memref<64xi32, #tpu.memory_space<vmem>>)
      tpu.yield
    }) : () -> ()
    %dma_start3A = arith.constant 0 : i32
    %dma_start3A_4 = arith.constant 0 : i32
    %dma_start3A_5 = tpu.memref_slice %arg2[%dma_start3A, %dma_start3A_4] : memref<5120x768xf32, #tpu.memory_space<hbm>> -> memref<5120x768xf32, #tpu.memory_space<hbm>>
    tpu.enqueue_indirect_dma source(%dma_start3A_5 : memref<5120x768xf32, #tpu.memory_space<hbm>>) target(%arg7 : memref<64x768xf32, #tpu.memory_space<vmem>>) offsets(%arg5 : memref<64xi32, #tpu.memory_space<vmem>>) semaphore(%arg9 : memref<!tpu.dma_semaphore, #tpu.memory_space<semaphore_mem>>)
    %dma_start3A_6 = arith.constant 0 : i32
    %dma_start3A_7 = arith.constant 0 : i32
    %dma_start3A_8 = tpu.memref_slice %arg2[%dma_start3A_6, %dma_start3A_7] : memref<5120x768xf32, #tpu.memory_space<hbm>> -> memref<5120x768xf32, #tpu.memory_space<hbm>>
    tpu.enqueue_indirect_dma source(%dma_start3A_8 : memref<5120x768xf32, #tpu.memory_space<hbm>>) target(%arg8 : memref<64x768xf32, #tpu.memory_space<vmem>>) offsets(%arg6 : memref<64xi32, #tpu.memory_space<vmem>>) semaphore(%arg9 : memref<!tpu.dma_semaphore, #tpu.memory_space<semaphore_mem>>)
    %dma_wait3A = arith.constant 0 : i32
    %dma_wait3A_9 = arith.constant 0 : i32
    %dma_wait3A_10 = tpu.memref_slice %arg2[%dma_wait3A, %dma_wait3A_9] : memref<5120x768xf32, #tpu.memory_space<hbm>> -> memref<5120x768xf32, #tpu.memory_space<hbm>>
    tpu.wait_indirect_dma semaphore(%arg9 : memref<!tpu.dma_semaphore, #tpu.memory_space<semaphore_mem>>) src(%dma_wait3A_10 : memref<5120x768xf32, #tpu.memory_space<hbm>>) dst(%arg7 : memref<64x768xf32, #tpu.memory_space<vmem>>)
    %dma_wait3A_11 = arith.constant 0 : i32
    %dma_wait3A_12 = arith.constant 0 : i32
    %dma_wait3A_13 = tpu.memref_slice %arg2[%dma_wait3A_11, %dma_wait3A_12] : memref<5120x768xf32, #tpu.memory_space<hbm>> -> memref<5120x768xf32, #tpu.memory_space<hbm>>
    tpu.wait_indirect_dma semaphore(%arg9 : memref<!tpu.dma_semaphore, #tpu.memory_space<semaphore_mem>>) src(%dma_wait3A_13 : memref<5120x768xf32, #tpu.memory_space<hbm>>) dst(%arg8 : memref<64x768xf32, #tpu.memory_space<vmem>>)
    %scan3A = arith.constant 0 : i32
    %scan3A_14 = arith.constant 0 : i32
    %scan3A_15 = arith.constant 64 : i32
    %scan3A_16 = arith.addi %scan3A_14, %scan3A_15 : i32
    %scan3A_17 = arith.constant 1 : i32
    %scan3A_18 = scf.for %scan3A_20 = %scan3A_14 to %scan3A_16 step %scan3A_17 iter_args(%scan3A_21 = %scan3A) -> (i32)  : i32 {
      %get3A = arith.index_cast %scan3A_20 : i32 to index
      %get3A_22 = arith.constant 0 : index
      %get3A_23 = tpu.vector_load %arg7[%get3A, %get3A_22] {strides = array<i32>} : memref<64x768xf32, #tpu.memory_space<vmem>>, vector<1x16xf32>,
      %get3A_24 = vector.shape_cast %get3A_23 : vector<1x16xf32> to vector<16xf32>
      %get3A_25 = arith.index_cast %scan3A_20 : i32 to index
      %get3A_26 = arith.constant 0 : index
      %get3A_27 = tpu.vector_load %arg8[%get3A_25, %get3A_26] {strides = array<i32>} : memref<64x768xf32, #tpu.memory_space<vmem>>, vector<1x16xf32>,
      %get3A_28 = vector.shape_cast %get3A_27 : vector<1x16xf32> to vector<16xf32>
      %add3A_29 = arith.addf %get3A_24, %get3A_28 : vector<16xf32>
      %mul3A_30 = arith.constant 5.000000e-01 : f32
      %mul3A_31 = vector.broadcast %mul3A_30 : f32 to vector<16xf32>
      %mul3A_32 = arith.mulf %add3A_29, %mul3A_31 : vector<16xf32>
      %swap3A = arith.index_cast %scan3A_20 : i32 to index
      %swap3A_33 = arith.constant 0 : index
      %swap3A_34 = tpu.vector_load %arg7[%swap3A, %swap3A_33] {strides = array<i32>} : memref<64x768xf32, #tpu.memory_space<vmem>>, vector<1x16xf32>,
      %swap3A_35 = vector.shape_cast %swap3A_34 : vector<1x16xf32> to vector<16xf32>
      %swap3A_36 = vector.shape_cast %mul3A_32 : vector<16xf32> to vector<1x16xf32>
      tpu.vector_store %arg7[%swap3A, %swap3A_33], %swap3A_36 {strides = array<i32>} : memref<64x768xf32, #tpu.memory_space<vmem>>, vector<1x16xf32>,
      %get3A_37 = arith.index_cast %scan3A_20 : i32 to index
      %get3A_38 = arith.constant 16 : index
      %get3A_39 = tpu.vector_load %arg7[%get3A_37, %get3A_38] {strides = array<i32>} : memref<64x768xf32, #tpu.memory_space<vmem>>, vector<1x16xf32>,
      %get3A_40 = vector.shape_cast %get3A_39 : vector<1x16xf32> to vector<16xf32>
      %get3A_41 = arith.index_cast %scan3A_20 : i32 to index
      %get3A_42 = arith.constant 16 : index
      %get3A_43 = tpu.vector_load %arg8[%get3A_41, %get3A_42] {strides = array<i32>} : memref<64x768xf32, #tpu.memory_space<vmem>>, vector<1x16xf32>,
      %get3A_44 = vector.shape_cast %get3A_43 : vector<1x16xf32> to vector<16xf32>
      %add3A_45 = arith.addf %get3A_40, %get3A_44 : vector<16xf32>
      %mul3A_46 = arith.constant 5.000000e-01 : f32
      %mul3A_47 = vector.broadcast %mul3A_46 : f32 to vector<16xf32>
      %mul3A_48 = arith.mulf %add3A_45, %mul3A_47 : vector<16xf32>
      %swap3A_49 = arith.index_cast %scan3A_20 : i32 to index
      %swap3A_50 = arith.constant 16 : index
      %swap3A_51 = tpu.vector_load %arg7[%swap3A_49, %swap3A_50] {strides = array<i32>} : memref<64x768xf32, #tpu.memory_space<vmem>>, vector<1x16xf32>,
      %swap3A_52 = vector.shape_cast %swap3A_51 : vector<1x16xf32> to vector<16xf32>
      %swap3A_53 = vector.shape_cast %mul3A_48 : vector<16xf32> to vector<1x16xf32>
      tpu.vector_store %arg7[%swap3A_49, %swap3A_50], %swap3A_53 {strides = array<i32>} : memref<64x768xf32, #tpu.memory_space<vmem>>, vector<1x16xf32>,
      %get3A_54 = arith.index_cast %scan3A_20 : i32 to index
      %get3A_55 = arith.constant 32 : index
      %get3A_56 = tpu.vector_load %arg7[%get3A_54, %get3A_55] {strides = array<i32>} : memref<64x768xf32, #tpu.memory_space<vmem>>, vector<1x16xf32>,
      %get3A_57 = vector.shape_cast %get3A_56 : vector<1x16xf32> to vector<16xf32>
      %get3A_58 = arith.index_cast %scan3A_20 : i32 to index
      %get3A_59 = arith.constant 32 : index
      %get3A_60 = tpu.vector_load %arg8[%get3A_58, %get3A_59] {strides = array<i32>} : memref<64x768xf32, #tpu.memory_space<vmem>>, vector<1x16xf32>,
      %get3A_61 = vector.shape_cast %get3A_60 : vector<1x16xf32> to vector<16xf32>
      %add3A_62 = arith.addf %get3A_57, %get3A_61 : vector<16xf32>
      %mul3A_63 = arith.constant 5.000000e-01 : f32
      %mul3A_64 = vector.broadcast %mul3A_63 : f32 to vector<16xf32>
      %mul3A_65 = arith.mulf %add3A_62, %mul3A_64 : vector<16xf32>
      %swap3A_66 = arith.index_cast %scan3A_20 : i32 to index
      %swap3A_67 = arith.constant 32 : index
      %swap3A_68 = tpu.vector_load %arg7[%swap3A_66, %swap3A_67] {strides = array<i32>} : memref<64x768xf32, #tpu.memory_space<vmem>>, vector<1x16xf32>,
      %swap3A_69 = vector.shape_cast %swap3A_68 : vector<1x16xf32> to vector<16xf32>
      %swap3A_70 = vector.shape_cast %mul3A_65 : vector<16xf32> to vector<1x16xf32>
      tpu.vector_store %arg7[%swap3A_66, %swap3A_67], %swap3A_70 {strides = array<i32>} : memref<64x768xf32, #tpu.memory_space<vmem>>, vector<1x16xf32>,
      %get3A_71 = arith.index_cast %scan3A_20 : i32 to index
      %get3A_72 = arith.constant 48 : index
      %get3A_73 = tpu.vector_load %arg7[%get3A_71, %get3A_72] {strides = array<i32>} : memref<64x768xf32, #tpu.memory_space<vmem>>, vector<1x16xf32>,
      %get3A_74 = vector.shape_cast %get3A_73 : vector<1x16xf32> to vector<16xf32>
      %get3A_75 = arith.index_cast %scan3A_20 : i32 to index
      %get3A_76 = arith.constant 48 : index
      %get3A_77 = tpu.vector_load %arg8[%get3A_75, %get3A_76] {strides = array<i32>} : memref<64x768xf32, #tpu.memory_space<vmem>>, vector<1x16xf32>,
      %get3A_78 = vector.shape_cast %get3A_77 : vector<1x16xf32> to vector<16xf32>
      %add3A_79 = arith.addf %get3A_74, %get3A_78 : vector<16xf32>
      %mul3A_80 = arith.constant 5.000000e-01 : f32
      %mul3A_81 = vector.broadcast %mul3A_80 : f32 to vector<16xf32>
      %mul3A_82 = arith.mulf %add3A_79, %mul3A_81 : vector<16xf32>
      %swap3A_83 = arith.index_cast %scan3A_20 : i32 to index
      %swap3A_84 = arith.constant 48 : index
      %swap3A_85 = tpu.vector_load %arg7[%swap3A_83, %swap3A_84] {strides = array<i32>} : memref<64x768xf32, #tpu.memory_space<vmem>>, vector<1x16xf32>,
      %swap3A_86 = vector.shape_cast %swap3A_85 : vector<1x16xf32> to vector<16xf32>
      %swap3A_87 = vector.shape_cast %mul3A_82 : vector<16xf32> to vector<1x16xf32>
      tpu.vector_store %arg7[%swap3A_83, %swap3A_84], %swap3A_87 {strides = array<i32>} : memref<64x768xf32, #tpu.memory_space<vmem>>, vector<1x16xf32>,
      %get3A_88 = arith.index_cast %scan3A_20 : i32 to index
      %get3A_89 = arith.constant 64 : index
      %get3A_90 = tpu.vector_load %arg7[%get3A_88, %get3A_89] {strides = array<i32>} : memref<64x768xf32, #tpu.memory_space<vmem>>, vector<1x16xf32>,
      %get3A_91 = vector.shape_cast %get3A_90 : vector<1x16xf32> to vector<16xf32>
      %get3A_92 = arith.index_cast %scan3A_20 : i32 to index
      %get3A_93 = arith.constant 64 : index
      %get3A_94 = tpu.vector_load %arg8[%get3A_92, %get3A_93] {strides = array<i32>} : memref<64x768xf32, #tpu.memory_space<vmem>>, vector<1x16xf32>,
      %get3A_95 = vector.shape_cast %get3A_94 : vector<1x16xf32> to vector<16xf32>
      %add3A_96 = arith.addf %get3A_91, %get3A_95 : vector<16xf32>
      %mul3A_97 = arith.constant 5.000000e-01 : f32
      %mul3A_98 = vector.broadcast %mul3A_97 : f32 to vector<16xf32>
      %mul3A_99 = arith.mulf %add3A_96, %mul3A_98 : vector<16xf32>
      %swap3A_100 = arith.index_cast %scan3A_20 : i32 to index
      %swap3A_101 = arith.constant 64 : index
      %swap3A_102 = tpu.vector_load %arg7[%swap3A_100, %swap3A_101] {strides = array<i32>} : memref<64x768xf32, #tpu.memory_space<vmem>>, vector<1x16xf32>,
      %swap3A_103 = vector.shape_cast %swap3A_102 : vector<1x16xf32> to vector<16xf32>
      %swap3A_104 = vector.shape_cast %mul3A_99 : vector<16xf32> to vector<1x16xf32>
      tpu.vector_store %arg7[%swap3A_100, %swap3A_101], %swap3A_104 {strides = array<i32>} : memref<64x768xf32, #tpu.memory_space<vmem>>, vector<1x16xf32>,
      %get3A_105 = arith.index_cast %scan3A_20 : i32 to index
      %get3A_106 = arith.constant 80 : index
      %get3A_107 = tpu.vector_load %arg7[%get3A_105, %get3A_106] {strides = array<i32>} : memref<64x768xf32, #tpu.memory_space<vmem>>, vector<1x16xf32>,
      %get3A_108 = vector.shape_cast %get3A_107 : vector<1x16xf32> to vector<16xf32>
      %get3A_109 = arith.index_cast %scan3A_20 : i32 to index
      %get3A_110 = arith.constant 80 : index
      %get3A_111 = tpu.vector_load %arg8[%get3A_109, %get3A_110] {strides = array<i32>} : memref<64x768xf32, #tpu.memory_space<vmem>>, vector<1x16xf32>,
      %get3A_112 = vector.shape_cast %get3A_111 : vector<1x16xf32> to vector<16xf32>
      %add3A_113 = arith.addf %get3A_108, %get3A_112 : vector<16xf32>
      %mul3A_114 = arith.constant 5.000000e-01 : f32
      %mul3A_115 = vector.broadcast %mul3A_114 : f32 to vector<16xf32>
      %mul3A_116 = arith.mulf %add3A_113, %mul3A_115 : vector<16xf32>
      %swap3A_117 = arith.index_cast %scan3A_20 : i32 to index
      %swap3A_118 = arith.constant 80 : index
      %swap3A_119 = tpu.vector_load %arg7[%swap3A_117, %swap3A_118] {strides = array<i32>} : memref<64x768xf32, #tpu.memory_space<vmem>>, vector<1x16xf32>,
      %swap3A_120 = vector.shape_cast %swap3A_119 : vector<1x16xf32> to vector<16xf32>
      %swap3A_121 = vector.shape_cast %mul3A_116 : vector<16xf32> to vector<1x16xf32>
      tpu.vector_store %arg7[%swap3A_117, %swap3A_118], %swap3A_121 {strides = array<i32>} : memref<64x768xf32, #tpu.memory_space<vmem>>, vector<1x16xf32>,
      %get3A_122 = arith.index_cast %scan3A_20 : i32 to index
      %get3A_123 = arith.constant 96 : index
      %get3A_124 = tpu.vector_load %arg7[%get3A_122, %get3A_123] {strides = array<i32>} : memref<64x768xf32, #tpu.memory_space<vmem>>, vector<1x16xf32>,
      %get3A_125 = vector.shape_cast %get3A_124 : vector<1x16xf32> to vector<16xf32>
      %get3A_126 = arith.index_cast %scan3A_20 : i32 to index
      %get3A_127 = arith.constant 96 : index
      %get3A_128 = tpu.vector_load %arg8[%get3A_126, %get3A_127] {strides = array<i32>} : memref<64x768xf32, #tpu.memory_space<vmem>>, vector<1x16xf32>,
      %get3A_129 = vector.shape_cast %get3A_128 : vector<1x16xf32> to vector<16xf32>
      %add3A_130 = arith.addf %get3A_125, %get3A_129 : vector<16xf32>
      %mul3A_131 = arith.constant 5.000000e-01 : f32
      %mul3A_132 = vector.broadcast %mul3A_131 : f32 to vector<16xf32>
      %mul3A_133 = arith.mulf %add3A_130, %mul3A_132 : vector<16xf32>
      %swap3A_134 = arith.index_cast %scan3A_20 : i32 to index
      %swap3A_135 = arith.constant 96 : index
      %swap3A_136 = tpu.vector_load %arg7[%swap3A_134, %swap3A_135] {strides = array<i32>} : memref<64x768xf32, #tpu.memory_space<vmem>>, vector<1x16xf32>,
      %swap3A_137 = vector.shape_cast %swap3A_136 : vector<1x16xf32> to vector<16xf32>
      %swap3A_138 = vector.shape_cast %mul3A_133 : vector<16xf32> to vector<1x16xf32>
      tpu.vector_store %arg7[%swap3A_134, %swap3A_135], %swap3A_138 {strides = array<i32>} : memref<64x768xf32, #tpu.memory_space<vmem>>, vector<1x16xf32>,
      %get3A_139 = arith.index_cast %scan3A_20 : i32 to index
      %get3A_140 = arith.constant 112 : index
      %get3A_141 = tpu.vector_load %arg7[%get3A_139, %get3A_140] {strides = array<i32>} : memref<64x768xf32, #tpu.memory_space<vmem>>, vector<1x16xf32>,
      %get3A_142 = vector.shape_cast %get3A_141 : vector<1x16xf32> to vector<16xf32>
      %get3A_143 = arith.index_cast %scan3A_20 : i32 to index
      %get3A_144 = arith.constant 112 : index
      %get3A_145 = tpu.vector_load %arg8[%get3A_143, %get3A_144] {strides = array<i32>} : memref<64x768xf32, #tpu.memory_space<vmem>>, vector<1x16xf32>,
      %get3A_146 = vector.shape_cast %get3A_145 : vector<1x16xf32> to vector<16xf32>
      %add3A_147 = arith.addf %get3A_142, %get3A_146 : vector<16xf32>
      %mul3A_148 = arith.constant 5.000000e-01 : f32
      %mul3A_149 = vector.broadcast %mul3A_148 : f32 to vector<16xf32>
      %mul3A_150 = arith.mulf %add3A_147, %mul3A_149 : vector<16xf32>
      %swap3A_151 = arith.index_cast %scan3A_20 : i32 to index
      %swap3A_152 = arith.constant 112 : index
      %swap3A_153 = tpu.vector_load %arg7[%swap3A_151, %swap3A_152] {strides = array<i32>} : memref<64x768xf32, #tpu.memory_space<vmem>>, vector<1x16xf32>,
      %swap3A_154 = vector.shape_cast %swap3A_153 : vector<1x16xf32> to vector<16xf32>
      %swap3A_155 = vector.shape_cast %mul3A_150 : vector<16xf32> to vector<1x16xf32>
      tpu.vector_store %arg7[%swap3A_151, %swap3A_152], %swap3A_155 {strides = array<i32>} : memref<64x768xf32, #tpu.memory_space<vmem>>, vector<1x16xf32>,
      %get3A_156 = arith.index_cast %scan3A_20 : i32 to index
      %get3A_157 = arith.constant 128 : index
      %get3A_158 = tpu.vector_load %arg7[%get3A_156, %get3A_157] {strides = array<i32>} : memref<64x768xf32, #tpu.memory_space<vmem>>, vector<1x16xf32>,
      %get3A_159 = vector.shape_cast %get3A_158 : vector<1x16xf32> to vector<16xf32>
      %get3A_160 = arith.index_cast %scan3A_20 : i32 to index
      %get3A_161 = arith.constant 128 : index
      %get3A_162 = tpu.vector_load %arg8[%get3A_160, %get3A_161] {strides = array<i32>} : memref<64x768xf32, #tpu.memory_space<vmem>>, vector<1x16xf32>,
      %get3A_163 = vector.shape_cast %get3A_162 : vector<1x16xf32> to vector<16xf32>
      %add3A_164 = arith.addf %get3A_159, %get3A_163 : vector<16xf32>
      %mul3A_165 = arith.constant 5.000000e-01 : f32
      %mul3A_166 = vector.broadcast %mul3A_165 : f32 to vector<16xf32>
      %mul3A_167 = arith.mulf %add3A_164, %mul3A_166 : vector<16xf32>
      %swap3A_168 = arith.index_cast %scan3A_20 : i32 to index
      %swap3A_169 = arith.constant 128 : index
      %swap3A_170 = tpu.vector_load %arg7[%swap3A_168, %swap3A_169] {strides = array<i32>} : memref<64x768xf32, #tpu.memory_space<vmem>>, vector<1x16xf32>,
      %swap3A_171 = vector.shape_cast %swap3A_170 : vector<1x16xf32> to vector<16xf32>
      %swap3A_172 = vector.shape_cast %mul3A_167 : vector<16xf32> to vector<1x16xf32>
      tpu.vector_store %arg7[%swap3A_168, %swap3A_169], %swap3A_172 {strides = array<i32>} : memref<64x768xf32, #tpu.memory_space<vmem>>, vector<1x16xf32>,
      %get3A_173 = arith.index_cast %scan3A_20 : i32 to index
      %get3A_174 = arith.constant 144 : index
      %get3A_175 = tpu.vector_load %arg7[%get3A_173, %get3A_174] {strides = array<i32>} : memref<64x768xf32, #tpu.memory_space<vmem>>, vector<1x16xf32>,
      %get3A_176 = vector.shape_cast %get3A_175 : vector<1x16xf32> to vector<16xf32>
      %get3A_177 = arith.index_cast %scan3A_20 : i32 to index
      %get3A_178 = arith.constant 144 : index
      %get3A_179 = tpu.vector_load %arg8[%get3A_177, %get3A_178] {strides = array<i32>} : memref<64x768xf32, #tpu.memory_space<vmem>>, vector<1x16xf32>,
      %get3A_180 = vector.shape_cast %get3A_179 : vector<1x16xf32> to vector<16xf32>
      %add3A_181 = arith.addf %get3A_176, %get3A_180 : vector<16xf32>
      %mul3A_182 = arith.constant 5.000000e-01 : f32
      %mul3A_183 = vector.broadcast %mul3A_182 : f32 to vector<16xf32>
      %mul3A_184 = arith.mulf %add3A_181, %mul3A_183 : vector<16xf32>
      %swap3A_185 = arith.index_cast %scan3A_20 : i32 to index
      %swap3A_186 = arith.constant 144 : index
      %swap3A_187 = tpu.vector_load %arg7[%swap3A_185, %swap3A_186] {strides = array<i32>} : memref<64x768xf32, #tpu.memory_space<vmem>>, vector<1x16xf32>,
      %swap3A_188 = vector.shape_cast %swap3A_187 : vector<1x16xf32> to vector<16xf32>
      %swap3A_189 = vector.shape_cast %mul3A_184 : vector<16xf32> to vector<1x16xf32>
      tpu.vector_store %arg7[%swap3A_185, %swap3A_186], %swap3A_189 {strides = array<i32>} : memref<64x768xf32, #tpu.memory_space<vmem>>, vector<1x16xf32>,
      %get3A_190 = arith.index_cast %scan3A_20 : i32 to index
      %get3A_191 = arith.constant 160 : index
      %get3A_192 = tpu.vector_load %arg7[%get3A_190, %get3A_191] {strides = array<i32>} : memref<64x768xf32, #tpu.memory_space<vmem>>, vector<1x16xf32>,
      %get3A_193 = vector.shape_cast %get3A_192 : vector<1x16xf32> to vector<16xf32>
      %get3A_194 = arith.index_cast %scan3A_20 : i32 to index
      %get3A_195 = arith.constant 160 : index
      %get3A_196 = tpu.vector_load %arg8[%get3A_194, %get3A_195] {strides = array<i32>} : memref<64x768xf32, #tpu.memory_space<vmem>>, vector<1x16xf32>,
      %get3A_197 = vector.shape_cast %get3A_196 : vector<1x16xf32> to vector<16xf32>
      %add3A_198 = arith.addf %get3A_193, %get3A_197 : vector<16xf32>
      %mul3A_199 = arith.constant 5.000000e-01 : f32
      %mul3A_200 = vector.broadcast %mul3A_199 : f32 to vector<16xf32>
      %mul3A_201 = arith.mulf %add3A_198, %mul3A_200 : vector<16xf32>
      %swap3A_202 = arith.index_cast %scan3A_20 : i32 to index
      %swap3A_203 = arith.constant 160 : index
      %swap3A_204 = tpu.vector_load %arg7[%swap3A_202, %swap3A_203] {strides = array<i32>} : memref<64x768xf32, #tpu.memory_space<vmem>>, vector<1x16xf32>,
      %swap3A_205 = vector.shape_cast %swap3A_204 : vector<1x16xf32> to vector<16xf32>
      %swap3A_206 = vector.shape_cast %mul3A_201 : vector<16xf32> to vector<1x16xf32>
      tpu.vector_store %arg7[%swap3A_202, %swap3A_203], %swap3A_206 {strides = array<i32>} : memref<64x768xf32, #tpu.memory_space<vmem>>, vector<1x16xf32>,
      %get3A_207 = arith.index_cast %scan3A_20 : i32 to index
      %get3A_208 = arith.constant 176 : index
      %get3A_209 = tpu.vector_load %arg7[%get3A_207, %get3A_208] {strides = array<i32>} : memref<64x768xf32, #tpu.memory_space<vmem>>, vector<1x16xf32>,
      %get3A_210 = vector.shape_cast %get3A_209 : vector<1x16xf32> to vector<16xf32>
      %get3A_211 = arith.index_cast %scan3A_20 : i32 to index
      %get3A_212 = arith.constant 176 : index
      %get3A_213 = tpu.vector_load %arg8[%get3A_211, %get3A_212] {strides = array<i32>} : memref<64x768xf32, #tpu.memory_space<vmem>>, vector<1x16xf32>,
      %get3A_214 = vector.shape_cast %get3A_213 : vector<1x16xf32> to vector<16xf32>
      %add3A_215 = arith.addf %get3A_210, %get3A_214 : vector<16xf32>
      %mul3A_216 = arith.constant 5.000000e-01 : f32
      %mul3A_217 = vector.broadcast %mul3A_216 : f32 to vector<16xf32>
      %mul3A_218 = arith.mulf %add3A_215, %mul3A_217 : vector<16xf32>
      %swap3A_219 = arith.index_cast %scan3A_20 : i32 to index
      %swap3A_220 = arith.constant 176 : index
      %swap3A_221 = tpu.vector_load %arg7[%swap3A_219, %swap3A_220] {strides = array<i32>} : memref<64x768xf32, #tpu.memory_space<vmem>>, vector<1x16xf32>,
      %swap3A_222 = vector.shape_cast %swap3A_221 : vector<1x16xf32> to vector<16xf32>
      %swap3A_223 = vector.shape_cast %mul3A_218 : vector<16xf32> to vector<1x16xf32>
      tpu.vector_store %arg7[%swap3A_219, %swap3A_220], %swap3A_223 {strides = array<i32>} : memref<64x768xf32, #tpu.memory_space<vmem>>, vector<1x16xf32>,
      %get3A_224 = arith.index_cast %scan3A_20 : i32 to index
      %get3A_225 = arith.constant 192 : index
      %get3A_226 = tpu.vector_load %arg7[%get3A_224, %get3A_225] {strides = array<i32>} : memref<64x768xf32, #tpu.memory_space<vmem>>, vector<1x16xf32>,
      %get3A_227 = vector.shape_cast %get3A_226 : vector<1x16xf32> to vector<16xf32>
      %get3A_228 = arith.index_cast %scan3A_20 : i32 to index
      %get3A_229 = arith.constant 192 : index
      %get3A_230 = tpu.vector_load %arg8[%get3A_228, %get3A_229] {strides = array<i32>} : memref<64x768xf32, #tpu.memory_space<vmem>>, vector<1x16xf32>,
      %get3A_231 = vector.shape_cast %get3A_230 : vector<1x16xf32> to vector<16xf32>
      %add3A_232 = arith.addf %get3A_227, %get3A_231 : vector<16xf32>
      %mul3A_233 = arith.constant 5.000000e-01 : f32
      %mul3A_234 = vector.broadcast %mul3A_233 : f32 to vector<16xf32>
      %mul3A_235 = arith.mulf %add3A_232, %mul3A_234 : vector<16xf32>
      %swap3A_236 = arith.index_cast %scan3A_20 : i32 to index
      %swap3A_237 = arith.constant 192 : index
      %swap3A_238 = tpu.vector_load %arg7[%swap3A_236, %swap3A_237] {strides = array<i32>} : memref<64x768xf32, #tpu.memory_space<vmem>>, vector<1x16xf32>,
      %swap3A_239 = vector.shape_cast %swap3A_238 : vector<1x16xf32> to vector<16xf32>
      %swap3A_240 = vector.shape_cast %mul3A_235 : vector<16xf32> to vector<1x16xf32>
      tpu.vector_store %arg7[%swap3A_236, %swap3A_237], %swap3A_240 {strides = array<i32>} : memref<64x768xf32, #tpu.memory_space<vmem>>, vector<1x16xf32>,
      %get3A_241 = arith.index_cast %scan3A_20 : i32 to index
      %get3A_242 = arith.constant 208 : index
      %get3A_243 = tpu.vector_load %arg7[%get3A_241, %get3A_242] {strides = array<i32>} : memref<64x768xf32, #tpu.memory_space<vmem>>, vector<1x16xf32>,
      %get3A_244 = vector.shape_cast %get3A_243 : vector<1x16xf32> to vector<16xf32>
      %get3A_245 = arith.index_cast %scan3A_20 : i32 to index
      %get3A_246 = arith.constant 208 : index
      %get3A_247 = tpu.vector_load %arg8[%get3A_245, %get3A_246] {strides = array<i32>} : memref<64x768xf32, #tpu.memory_space<vmem>>, vector<1x16xf32>,
      %get3A_248 = vector.shape_cast %get3A_247 : vector<1x16xf32> to vector<16xf32>
      %add3A_249 = arith.addf %get3A_244, %get3A_248 : vector<16xf32>
      %mul3A_250 = arith.constant 5.000000e-01 : f32
      %mul3A_251 = vector.broadcast %mul3A_250 : f32 to vector<16xf32>
      %mul3A_252 = arith.mulf %add3A_249, %mul3A_251 : vector<16xf32>
      %swap3A_253 = arith.index_cast %scan3A_20 : i32 to index
      %swap3A_254 = arith.constant 208 : index
      %swap3A_255 = tpu.vector_load %arg7[%swap3A_253, %swap3A_254] {strides = array<i32>} : memref<64x768xf32, #tpu.memory_space<vmem>>, vector<1x16xf32>,
      %swap3A_256 = vector.shape_cast %swap3A_255 : vector<1x16xf32> to vector<16xf32>
      %swap3A_257 = vector.shape_cast %mul3A_252 : vector<16xf32> to vector<1x16xf32>
      tpu.vector_store %arg7[%swap3A_253, %swap3A_254], %swap3A_257 {strides = array<i32>} : memref<64x768xf32, #tpu.memory_space<vmem>>, vector<1x16xf32>,
      %get3A_258 = arith.index_cast %scan3A_20 : i32 to index
      %get3A_259 = arith.constant 224 : index
      %get3A_260 = tpu.vector_load %arg7[%get3A_258, %get3A_259] {strides = array<i32>} : memref<64x768xf32, #tpu.memory_space<vmem>>, vector<1x16xf32>,
      %get3A_261 = vector.shape_cast %get3A_260 : vector<1x16xf32> to vector<16xf32>
      %get3A_262 = arith.index_cast %scan3A_20 : i32 to index
      %get3A_263 = arith.constant 224 : index
      %get3A_264 = tpu.vector_load %arg8[%get3A_262, %get3A_263] {strides = array<i32>} : memref<64x768xf32, #tpu.memory_space<vmem>>, vector<1x16xf32>,
      %get3A_265 = vector.shape_cast %get3A_264 : vector<1x16xf32> to vector<16xf32>
      %add3A_266 = arith.addf %get3A_261, %get3A_265 : vector<16xf32>
      %mul3A_267 = arith.constant 5.000000e-01 : f32
      %mul3A_268 = vector.broadcast %mul3A_267 : f32 to vector<16xf32>
      %mul3A_269 = arith.mulf %add3A_266, %mul3A_268 : vector<16xf32>
      %swap3A_270 = arith.index_cast %scan3A_20 : i32 to index
      %swap3A_271 = arith.constant 224 : index
      %swap3A_272 = tpu.vector_load %arg7[%swap3A_270, %swap3A_271] {strides = array<i32>} : memref<64x768xf32, #tpu.memory_space<vmem>>, vector<1x16xf32>,
      %swap3A_273 = vector.shape_cast %swap3A_272 : vector<1x16xf32> to vector<16xf32>
      %swap3A_274 = vector.shape_cast %mul3A_269 : vector<16xf32> to vector<1x16xf32>
      tpu.vector_store %arg7[%swap3A_270, %swap3A_271], %swap3A_274 {strides = array<i32>} : memref<64x768xf32, #tpu.memory_space<vmem>>, vector<1x16xf32>,
      %get3A_275 = arith.index_cast %scan3A_20 : i32 to index
      %get3A_276 = arith.constant 240 : index
      %get3A_277 = tpu.vector_load %arg7[%get3A_275, %get3A_276] {strides = array<i32>} : memref<64x768xf32, #tpu.memory_space<vmem>>, vector<1x16xf32>,
      %get3A_278 = vector.shape_cast %get3A_277 : vector<1x16xf32> to vector<16xf32>
      %get3A_279 = arith.index_cast %scan3A_20 : i32 to index
      %get3A_280 = arith.constant 240 : index
      %get3A_281 = tpu.vector_load %arg8[%get3A_279, %get3A_280] {strides = array<i32>} : memref<64x768xf32, #tpu.memory_space<vmem>>, vector<1x16xf32>,
      %get3A_282 = vector.shape_cast %get3A_281 : vector<1x16xf32> to vector<16xf32>
      %add3A_283 = arith.addf %get3A_278, %get3A_282 : vector<16xf32>
      %mul3A_284 = arith.constant 5.000000e-01 : f32
      %mul3A_285 = vector.broadcast %mul3A_284 : f32 to vector<16xf32>
      %mul3A_286 = arith.mulf %add3A_283, %mul3A_285 : vector<16xf32>
      %swap3A_287 = arith.index_cast %scan3A_20 : i32 to index
      %swap3A_288 = arith.constant 240 : index
      %swap3A_289 = tpu.vector_load %arg7[%swap3A_287, %swap3A_288] {strides = array<i32>} : memref<64x768xf32, #tpu.memory_space<vmem>>, vector<1x16xf32>,
      %swap3A_290 = vector.shape_cast %swap3A_289 : vector<1x16xf32> to vector<16xf32>
      %swap3A_291 = vector.shape_cast %mul3A_286 : vector<16xf32> to vector<1x16xf32>
      tpu.vector_store %arg7[%swap3A_287, %swap3A_288], %swap3A_291 {strides = array<i32>} : memref<64x768xf32, #tpu.memory_space<vmem>>, vector<1x16xf32>,
      %get3A_292 = arith.index_cast %scan3A_20 : i32 to index
      %get3A_293 = arith.constant 256 : index
      %get3A_294 = tpu.vector_load %arg7[%get3A_292, %get3A_293] {strides = array<i32>} : memref<64x768xf32, #tpu.memory_space<vmem>>, vector<1x16xf32>,
      %get3A_295 = vector.shape_cast %get3A_294 : vector<1x16xf32> to vector<16xf32>
      %get3A_296 = arith.index_cast %scan3A_20 : i32 to index
      %get3A_297 = arith.constant 256 : index
      %get3A_298 = tpu.vector_load %arg8[%get3A_296, %get3A_297] {strides = array<i32>} : memref<64x768xf32, #tpu.memory_space<vmem>>, vector<1x16xf32>,
      %get3A_299 = vector.shape_cast %get3A_298 : vector<1x16xf32> to vector<16xf32>
      %add3A_300 = arith.addf %get3A_295, %get3A_299 : vector<16xf32>
      %mul3A_301 = arith.constant 5.000000e-01 : f32
      %mul3A_302 = vector.broadcast %mul3A_301 : f32 to vector<16xf32>
      %mul3A_303 = arith.mulf %add3A_300, %mul3A_302 : vector<16xf32>
      %swap3A_304 = arith.index_cast %scan3A_20 : i32 to index
      %swap3A_305 = arith.constant 256 : index
      %swap3A_306 = tpu.vector_load %arg7[%swap3A_304, %swap3A_305] {strides = array<i32>} : memref<64x768xf32, #tpu.memory_space<vmem>>, vector<1x16xf32>,
      %swap3A_307 = vector.shape_cast %swap3A_306 : vector<1x16xf32> to vector<16xf32>
      %swap3A_308 = vector.shape_cast %mul3A_303 : vector<16xf32> to vector<1x16xf32>
      tpu.vector_store %arg7[%swap3A_304, %swap3A_305], %swap3A_308 {strides = array<i32>} : memref<64x768xf32, #tpu.memory_space<vmem>>, vector<1x16xf32>,
      %get3A_309 = arith.index_cast %scan3A_20 : i32 to index
      %get3A_310 = arith.constant 272 : index
      %get3A_311 = tpu.vector_load %arg7[%get3A_309, %get3A_310] {strides = array<i32>} : memref<64x768xf32, #tpu.memory_space<vmem>>, vector<1x16xf32>,
      %get3A_312 = vector.shape_cast %get3A_311 : vector<1x16xf32> to vector<16xf32>
      %get3A_313 = arith.index_cast %scan3A_20 : i32 to index
      %get3A_314 = arith.constant 272 : index
      %get3A_315 = tpu.vector_load %arg8[%get3A_313, %get3A_314] {strides = array<i32>} : memref<64x768xf32, #tpu.memory_space<vmem>>, vector<1x16xf32>,
      %get3A_316 = vector.shape_cast %get3A_315 : vector<1x16xf32> to vector<16xf32>
      %add3A_317 = arith.addf %get3A_312, %get3A_316 : vector<16xf32>
      %mul3A_318 = arith.constant 5.000000e-01 : f32
      %mul3A_319 = vector.broadcast %mul3A_318 : f32 to vector<16xf32>
      %mul3A_320 = arith.mulf %add3A_317, %mul3A_319 : vector<16xf32>
      %swap3A_321 = arith.index_cast %scan3A_20 : i32 to index
      %swap3A_322 = arith.constant 272 : index
      %swap3A_323 = tpu.vector_load %arg7[%swap3A_321, %swap3A_322] {strides = array<i32>} : memref<64x768xf32, #tpu.memory_space<vmem>>, vector<1x16xf32>,
      %swap3A_324 = vector.shape_cast %swap3A_323 : vector<1x16xf32> to vector<16xf32>
      %swap3A_325 = vector.shape_cast %mul3A_320 : vector<16xf32> to vector<1x16xf32>
      tpu.vector_store %arg7[%swap3A_321, %swap3A_322], %swap3A_325 {strides = array<i32>} : memref<64x768xf32, #tpu.memory_space<vmem>>, vector<1x16xf32>,
      %get3A_326 = arith.index_cast %scan3A_20 : i32 to index
      %get3A_327 = arith.constant 288 : index
      %get3A_328 = tpu.vector_load %arg7[%get3A_326, %get3A_327] {strides = array<i32>} : memref<64x768xf32, #tpu.memory_space<vmem>>, vector<1x16xf32>,
      %get3A_329 = vector.shape_cast %get3A_328 : vector<1x16xf32> to vector<16xf32>
      %get3A_330 = arith.index_cast %scan3A_20 : i32 to index
      %get3A_331 = arith.constant 288 : index
      %get3A_332 = tpu.vector_load %arg8[%get3A_330, %get3A_331] {strides = array<i32>} : memref<64x768xf32, #tpu.memory_space<vmem>>, vector<1x16xf32>,
      %get3A_333 = vector.shape_cast %get3A_332 : vector<1x16xf32> to vector<16xf32>
      %add3A_334 = arith.addf %get3A_329, %get3A_333 : vector<16xf32>
      %mul3A_335 = arith.constant 5.000000e-01 : f32
      %mul3A_336 = vector.broadcast %mul3A_335 : f32 to vector<16xf32>
      %mul3A_337 = arith.mulf %add3A_334, %mul3A_336 : vector<16xf32>
      %swap3A_338 = arith.index_cast %scan3A_20 : i32 to index
      %swap3A_339 = arith.constant 288 : index
      %swap3A_340 = tpu.vector_load %arg7[%swap3A_338, %swap3A_339] {strides = array<i32>} : memref<64x768xf32, #tpu.memory_space<vmem>>, vector<1x16xf32>,
      %swap3A_341 = vector.shape_cast %swap3A_340 : vector<1x16xf32> to vector<16xf32>
      %swap3A_342 = vector.shape_cast %mul3A_337 : vector<16xf32> to vector<1x16xf32>
      tpu.vector_store %arg7[%swap3A_338, %swap3A_339], %swap3A_342 {strides = array<i32>} : memref<64x768xf32, #tpu.memory_space<vmem>>, vector<1x16xf32>,
      %get3A_343 = arith.index_cast %scan3A_20 : i32 to index
      %get3A_344 = arith.constant 304 : index
      %get3A_345 = tpu.vector_load %arg7[%get3A_343, %get3A_344] {strides = array<i32>} : memref<64x768xf32, #tpu.memory_space<vmem>>, vector<1x16xf32>,
      %get3A_346 = vector.shape_cast %get3A_345 : vector<1x16xf32> to vector<16xf32>
      %get3A_347 = arith.index_cast %scan3A_20 : i32 to index
      %get3A_348 = arith.constant 304 : index
      %get3A_349 = tpu.vector_load %arg8[%get3A_347, %get3A_348] {strides = array<i32>} : memref<64x768xf32, #tpu.memory_space<vmem>>, vector<1x16xf32>,
      %get3A_350 = vector.shape_cast %get3A_349 : vector<1x16xf32> to vector<16xf32>
      %add3A_351 = arith.addf %get3A_346, %get3A_350 : vector<16xf32>
      %mul3A_352 = arith.constant 5.000000e-01 : f32
      %mul3A_353 = vector.broadcast %mul3A_352 : f32 to vector<16xf32>
      %mul3A_354 = arith.mulf %add3A_351, %mul3A_353 : vector<16xf32>
      %swap3A_355 = arith.index_cast %scan3A_20 : i32 to index
      %swap3A_356 = arith.constant 304 : index
      %swap3A_357 = tpu.vector_load %arg7[%swap3A_355, %swap3A_356] {strides = array<i32>} : memref<64x768xf32, #tpu.memory_space<vmem>>, vector<1x16xf32>,
      %swap3A_358 = vector.shape_cast %swap3A_357 : vector<1x16xf32> to vector<16xf32>
      %swap3A_359 = vector.shape_cast %mul3A_354 : vector<16xf32> to vector<1x16xf32>
      tpu.vector_store %arg7[%swap3A_355, %swap3A_356], %swap3A_359 {strides = array<i32>} : memref<64x768xf32, #tpu.memory_space<vmem>>, vector<1x16xf32>,
      %get3A_360 = arith.index_cast %scan3A_20 : i32 to index
      %get3A_361 = arith.constant 320 : index
      %get3A_362 = tpu.vector_load %arg7[%get3A_360, %get3A_361] {strides = array<i32>} : memref<64x768xf32, #tpu.memory_space<vmem>>, vector<1x16xf32>,
      %get3A_363 = vector.shape_cast %get3A_362 : vector<1x16xf32> to vector<16xf32>
      %get3A_364 = arith.index_cast %scan3A_20 : i32 to index
      %get3A_365 = arith.constant 320 : index
      %get3A_366 = tpu.vector_load %arg8[%get3A_364, %get3A_365] {strides = array<i32>} : memref<64x768xf32, #tpu.memory_space<vmem>>, vector<1x16xf32>,
      %get3A_367 = vector.shape_cast %get3A_366 : vector<1x16xf32> to vector<16xf32>
      %add3A_368 = arith.addf %get3A_363, %get3A_367 : vector<16xf32>
      %mul3A_369 = arith.constant 5.000000e-01 : f32
      %mul3A_370 = vector.broadcast %mul3A_369 : f32 to vector<16xf32>
      %mul3A_371 = arith.mulf %add3A_368, %mul3A_370 : vector<16xf32>
      %swap3A_372 = arith.index_cast %scan3A_20 : i32 to index
      %swap3A_373 = arith.constant 320 : index
      %swap3A_374 = tpu.vector_load %arg7[%swap3A_372, %swap3A_373] {strides = array<i32>} : memref<64x768xf32, #tpu.memory_space<vmem>>, vector<1x16xf32>,
      %swap3A_375 = vector.shape_cast %swap3A_374 : vector<1x16xf32> to vector<16xf32>
      %swap3A_376 = vector.shape_cast %mul3A_371 : vector<16xf32> to vector<1x16xf32>
      tpu.vector_store %arg7[%swap3A_372, %swap3A_373], %swap3A_376 {strides = array<i32>} : memref<64x768xf32, #tpu.memory_space<vmem>>, vector<1x16xf32>,
      %get3A_377 = arith.index_cast %scan3A_20 : i32 to index
      %get3A_378 = arith.constant 336 : index
      %get3A_379 = tpu.vector_load %arg7[%get3A_377, %get3A_378] {strides = array<i32>} : memref<64x768xf32, #tpu.memory_space<vmem>>, vector<1x16xf32>,
      %get3A_380 = vector.shape_cast %get3A_379 : vector<1x16xf32> to vector<16xf32>
      %get3A_381 = arith.index_cast %scan3A_20 : i32 to index
      %get3A_382 = arith.constant 336 : index
      %get3A_383 = tpu.vector_load %arg8[%get3A_381, %get3A_382] {strides = array<i32>} : memref<64x768xf32, #tpu.memory_space<vmem>>, vector<1x16xf32>,
      %get3A_384 = vector.shape_cast %get3A_383 : vector<1x16xf32> to vector<16xf32>
      %add3A_385 = arith.addf %get3A_380, %get3A_384 : vector<16xf32>
      %mul3A_386 = arith.constant 5.000000e-01 : f32
      %mul3A_387 = vector.broadcast %mul3A_386 : f32 to vector<16xf32>
      %mul3A_388 = arith.mulf %add3A_385, %mul3A_387 : vector<16xf32>
      %swap3A_389 = arith.index_cast %scan3A_20 : i32 to index
      %swap3A_390 = arith.constant 336 : index
      %swap3A_391 = tpu.vector_load %arg7[%swap3A_389, %swap3A_390] {strides = array<i32>} : memref<64x768xf32, #tpu.memory_space<vmem>>, vector<1x16xf32>,
      %swap3A_392 = vector.shape_cast %swap3A_391 : vector<1x16xf32> to vector<16xf32>
      %swap3A_393 = vector.shape_cast %mul3A_388 : vector<16xf32> to vector<1x16xf32>
      tpu.vector_store %arg7[%swap3A_389, %swap3A_390], %swap3A_393 {strides = array<i32>} : memref<64x768xf32, #tpu.memory_space<vmem>>, vector<1x16xf32>,
      %get3A_394 = arith.index_cast %scan3A_20 : i32 to index
      %get3A_395 = arith.constant 352 : index
      %get3A_396 = tpu.vector_load %arg7[%get3A_394, %get3A_395] {strides = array<i32>} : memref<64x768xf32, #tpu.memory_space<vmem>>, vector<1x16xf32>,
      %get3A_397 = vector.shape_cast %get3A_396 : vector<1x16xf32> to vector<16xf32>
      %get3A_398 = arith.index_cast %scan3A_20 : i32 to index
      %get3A_399 = arith.constant 352 : index
      %get3A_400 = tpu.vector_load %arg8[%get3A_398, %get3A_399] {strides = array<i32>} : memref<64x768xf32, #tpu.memory_space<vmem>>, vector<1x16xf32>,
      %get3A_401 = vector.shape_cast %get3A_400 : vector<1x16xf32> to vector<16xf32>
      %add3A_402 = arith.addf %get3A_397, %get3A_401 : vector<16xf32>
      %mul3A_403 = arith.constant 5.000000e-01 : f32
      %mul3A_404 = vector.broadcast %mul3A_403 : f32 to vector<16xf32>
      %mul3A_405 = arith.mulf %add3A_402, %mul3A_404 : vector<16xf32>
      %swap3A_406 = arith.index_cast %scan3A_20 : i32 to index
      %swap3A_407 = arith.constant 352 : index
      %swap3A_408 = tpu.vector_load %arg7[%swap3A_406, %swap3A_407] {strides = array<i32>} : memref<64x768xf32, #tpu.memory_space<vmem>>, vector<1x16xf32>,
      %swap3A_409 = vector.shape_cast %swap3A_408 : vector<1x16xf32> to vector<16xf32>
      %swap3A_410 = vector.shape_cast %mul3A_405 : vector<16xf32> to vector<1x16xf32>
      tpu.vector_store %arg7[%swap3A_406, %swap3A_407], %swap3A_410 {strides = array<i32>} : memref<64x768xf32, #tpu.memory_space<vmem>>, vector<1x16xf32>,
      %get3A_411 = arith.index_cast %scan3A_20 : i32 to index
      %get3A_412 = arith.constant 368 : index
      %get3A_413 = tpu.vector_load %arg7[%get3A_411, %get3A_412] {strides = array<i32>} : memref<64x768xf32, #tpu.memory_space<vmem>>, vector<1x16xf32>,
      %get3A_414 = vector.shape_cast %get3A_413 : vector<1x16xf32> to vector<16xf32>
      %get3A_415 = arith.index_cast %scan3A_20 : i32 to index
      %get3A_416 = arith.constant 368 : index
      %get3A_417 = tpu.vector_load %arg8[%get3A_415, %get3A_416] {strides = array<i32>} : memref<64x768xf32, #tpu.memory_space<vmem>>, vector<1x16xf32>,
      %get3A_418 = vector.shape_cast %get3A_417 : vector<1x16xf32> to vector<16xf32>
      %add3A_419 = arith.addf %get3A_414, %get3A_418 : vector<16xf32>
      %mul3A_420 = arith.constant 5.000000e-01 : f32
      %mul3A_421 = vector.broadcast %mul3A_420 : f32 to vector<16xf32>
      %mul3A_422 = arith.mulf %add3A_419, %mul3A_421 : vector<16xf32>
      %swap3A_423 = arith.index_cast %scan3A_20 : i32 to index
      %swap3A_424 = arith.constant 368 : index
      %swap3A_425 = tpu.vector_load %arg7[%swap3A_423, %swap3A_424] {strides = array<i32>} : memref<64x768xf32, #tpu.memory_space<vmem>>, vector<1x16xf32>,
      %swap3A_426 = vector.shape_cast %swap3A_425 : vector<1x16xf32> to vector<16xf32>
      %swap3A_427 = vector.shape_cast %mul3A_422 : vector<16xf32> to vector<1x16xf32>
      tpu.vector_store %arg7[%swap3A_423, %swap3A_424], %swap3A_427 {strides = array<i32>} : memref<64x768xf32, #tpu.memory_space<vmem>>, vector<1x16xf32>,
      %get3A_428 = arith.index_cast %scan3A_20 : i32 to index
      %get3A_429 = arith.constant 384 : index
      %get3A_430 = tpu.vector_load %arg7[%get3A_428, %get3A_429] {strides = array<i32>} : memref<64x768xf32, #tpu.memory_space<vmem>>, vector<1x16xf32>,
      %get3A_431 = vector.shape_cast %get3A_430 : vector<1x16xf32> to vector<16xf32>
      %get3A_432 = arith.index_cast %scan3A_20 : i32 to index
      %get3A_433 = arith.constant 384 : index
      %get3A_434 = tpu.vector_load %arg8[%get3A_432, %get3A_433] {strides = array<i32>} : memref<64x768xf32, #tpu.memory_space<vmem>>, vector<1x16xf32>,
      %get3A_435 = vector.shape_cast %get3A_434 : vector<1x16xf32> to vector<16xf32>
      %add3A_436 = arith.addf %get3A_431, %get3A_435 : vector<16xf32>
      %mul3A_437 = arith.constant 5.000000e-01 : f32
      %mul3A_438 = vector.broadcast %mul3A_437 : f32 to vector<16xf32>
      %mul3A_439 = arith.mulf %add3A_436, %mul3A_438 : vector<16xf32>
      %swap3A_440 = arith.index_cast %scan3A_20 : i32 to index
      %swap3A_441 = arith.constant 384 : index
      %swap3A_442 = tpu.vector_load %arg7[%swap3A_440, %swap3A_441] {strides = array<i32>} : memref<64x768xf32, #tpu.memory_space<vmem>>, vector<1x16xf32>,
      %swap3A_443 = vector.shape_cast %swap3A_442 : vector<1x16xf32> to vector<16xf32>
      %swap3A_444 = vector.shape_cast %mul3A_439 : vector<16xf32> to vector<1x16xf32>
      tpu.vector_store %arg7[%swap3A_440, %swap3A_441], %swap3A_444 {strides = array<i32>} : memref<64x768xf32, #tpu.memory_space<vmem>>, vector<1x16xf32>,
      %get3A_445 = arith.index_cast %scan3A_20 : i32 to index
      %get3A_446 = arith.constant 400 : index
      %get3A_447 = tpu.vector_load %arg7[%get3A_445, %get3A_446] {strides = array<i32>} : memref<64x768xf32, #tpu.memory_space<vmem>>, vector<1x16xf32>,
      %get3A_448 = vector.shape_cast %get3A_447 : vector<1x16xf32> to vector<16xf32>
      %get3A_449 = arith.index_cast %scan3A_20 : i32 to index
      %get3A_450 = arith.constant 400 : index
      %get3A_451 = tpu.vector_load %arg8[%get3A_449, %get3A_450] {strides = array<i32>} : memref<64x768xf32, #tpu.memory_space<vmem>>, vector<1x16xf32>,
      %get3A_452 = vector.shape_cast %get3A_451 : vector<1x16xf32> to vector<16xf32>
      %add3A_453 = arith.addf %get3A_448, %get3A_452 : vector<16xf32>
      %mul3A_454 = arith.constant 5.000000e-01 : f32
      %mul3A_455 = vector.broadcast %mul3A_454 : f32 to vector<16xf32>
      %mul3A_456 = arith.mulf %add3A_453, %mul3A_455 : vector<16xf32>
      %swap3A_457 = arith.index_cast %scan3A_20 : i32 to index
      %swap3A_458 = arith.constant 400 : index
      %swap3A_459 = tpu.vector_load %arg7[%swap3A_457, %swap3A_458] {strides = array<i32>} : memref<64x768xf32, #tpu.memory_space<vmem>>, vector<1x16xf32>,
      %swap3A_460 = vector.shape_cast %swap3A_459 : vector<1x16xf32> to vector<16xf32>
      %swap3A_461 = vector.shape_cast %mul3A_456 : vector<16xf32> to vector<1x16xf32>
      tpu.vector_store %arg7[%swap3A_457, %swap3A_458], %swap3A_461 {strides = array<i32>} : memref<64x768xf32, #tpu.memory_space<vmem>>, vector<1x16xf32>,
      %get3A_462 = arith.index_cast %scan3A_20 : i32 to index
      %get3A_463 = arith.constant 416 : index
      %get3A_464 = tpu.vector_load %arg7[%get3A_462, %get3A_463] {strides = array<i32>} : memref<64x768xf32, #tpu.memory_space<vmem>>, vector<1x16xf32>,
      %get3A_465 = vector.shape_cast %get3A_464 : vector<1x16xf32> to vector<16xf32>
      %get3A_466 = arith.index_cast %scan3A_20 : i32 to index
      %get3A_467 = arith.constant 416 : index
      %get3A_468 = tpu.vector_load %arg8[%get3A_466, %get3A_467] {strides = array<i32>} : memref<64x768xf32, #tpu.memory_space<vmem>>, vector<1x16xf32>,
      %get3A_469 = vector.shape_cast %get3A_468 : vector<1x16xf32> to vector<16xf32>
      %add3A_470 = arith.addf %get3A_465, %get3A_469 : vector<16xf32>
      %mul3A_471 = arith.constant 5.000000e-01 : f32
      %mul3A_472 = vector.broadcast %mul3A_471 : f32 to vector<16xf32>
      %mul3A_473 = arith.mulf %add3A_470, %mul3A_472 : vector<16xf32>
      %swap3A_474 = arith.index_cast %scan3A_20 : i32 to index
      %swap3A_475 = arith.constant 416 : index
      %swap3A_476 = tpu.vector_load %arg7[%swap3A_474, %swap3A_475] {strides = array<i32>} : memref<64x768xf32, #tpu.memory_space<vmem>>, vector<1x16xf32>,
      %swap3A_477 = vector.shape_cast %swap3A_476 : vector<1x16xf32> to vector<16xf32>
      %swap3A_478 = vector.shape_cast %mul3A_473 : vector<16xf32> to vector<1x16xf32>
      tpu.vector_store %arg7[%swap3A_474, %swap3A_475], %swap3A_478 {strides = array<i32>} : memref<64x768xf32, #tpu.memory_space<vmem>>, vector<1x16xf32>,
      %get3A_479 = arith.index_cast %scan3A_20 : i32 to index
      %get3A_480 = arith.constant 432 : index
      %get3A_481 = tpu.vector_load %arg7[%get3A_479, %get3A_480] {strides = array<i32>} : memref<64x768xf32, #tpu.memory_space<vmem>>, vector<1x16xf32>,
      %get3A_482 = vector.shape_cast %get3A_481 : vector<1x16xf32> to vector<16xf32>
      %get3A_483 = arith.index_cast %scan3A_20 : i32 to index
      %get3A_484 = arith.constant 432 : index
      %get3A_485 = tpu.vector_load %arg8[%get3A_483, %get3A_484] {strides = array<i32>} : memref<64x768xf32, #tpu.memory_space<vmem>>, vector<1x16xf32>,
      %get3A_486 = vector.shape_cast %get3A_485 : vector<1x16xf32> to vector<16xf32>
      %add3A_487 = arith.addf %get3A_482, %get3A_486 : vector<16xf32>
      %mul3A_488 = arith.constant 5.000000e-01 : f32
      %mul3A_489 = vector.broadcast %mul3A_488 : f32 to vector<16xf32>
      %mul3A_490 = arith.mulf %add3A_487, %mul3A_489 : vector<16xf32>
      %swap3A_491 = arith.index_cast %scan3A_20 : i32 to index
      %swap3A_492 = arith.constant 432 : index
      %swap3A_493 = tpu.vector_load %arg7[%swap3A_491, %swap3A_492] {strides = array<i32>} : memref<64x768xf32, #tpu.memory_space<vmem>>, vector<1x16xf32>,
      %swap3A_494 = vector.shape_cast %swap3A_493 : vector<1x16xf32> to vector<16xf32>
      %swap3A_495 = vector.shape_cast %mul3A_490 : vector<16xf32> to vector<1x16xf32>
      tpu.vector_store %arg7[%swap3A_491, %swap3A_492], %swap3A_495 {strides = array<i32>} : memref<64x768xf32, #tpu.memory_space<vmem>>, vector<1x16xf32>,
      %get3A_496 = arith.index_cast %scan3A_20 : i32 to index
      %get3A_497 = arith.constant 448 : index
      %get3A_498 = tpu.vector_load %arg7[%get3A_496, %get3A_497] {strides = array<i32>} : memref<64x768xf32, #tpu.memory_space<vmem>>, vector<1x16xf32>,
      %get3A_499 = vector.shape_cast %get3A_498 : vector<1x16xf32> to vector<16xf32>
      %get3A_500 = arith.index_cast %scan3A_20 : i32 to index
      %get3A_501 = arith.constant 448 : index
      %get3A_502 = tpu.vector_load %arg8[%get3A_500, %get3A_501] {strides = array<i32>} : memref<64x768xf32, #tpu.memory_space<vmem>>, vector<1x16xf32>,
      %get3A_503 = vector.shape_cast %get3A_502 : vector<1x16xf32> to vector<16xf32>
      %add3A_504 = arith.addf %get3A_499, %get3A_503 : vector<16xf32>
      %mul3A_505 = arith.constant 5.000000e-01 : f32
      %mul3A_506 = vector.broadcast %mul3A_505 : f32 to vector<16xf32>
      %mul3A_507 = arith.mulf %add3A_504, %mul3A_506 : vector<16xf32>
      %swap3A_508 = arith.index_cast %scan3A_20 : i32 to index
      %swap3A_509 = arith.constant 448 : index
      %swap3A_510 = tpu.vector_load %arg7[%swap3A_508, %swap3A_509] {strides = array<i32>} : memref<64x768xf32, #tpu.memory_space<vmem>>, vector<1x16xf32>,
      %swap3A_511 = vector.shape_cast %swap3A_510 : vector<1x16xf32> to vector<16xf32>
      %swap3A_512 = vector.shape_cast %mul3A_507 : vector<16xf32> to vector<1x16xf32>
      tpu.vector_store %arg7[%swap3A_508, %swap3A_509], %swap3A_512 {strides = array<i32>} : memref<64x768xf32, #tpu.memory_space<vmem>>, vector<1x16xf32>,
      %get3A_513 = arith.index_cast %scan3A_20 : i32 to index
      %get3A_514 = arith.constant 464 : index
      %get3A_515 = tpu.vector_load %arg7[%get3A_513, %get3A_514] {strides = array<i32>} : memref<64x768xf32, #tpu.memory_space<vmem>>, vector<1x16xf32>,
      %get3A_516 = vector.shape_cast %get3A_515 : vector<1x16xf32> to vector<16xf32>
      %get3A_517 = arith.index_cast %scan3A_20 : i32 to index
      %get3A_518 = arith.constant 464 : index
      %get3A_519 = tpu.vector_load %arg8[%get3A_517, %get3A_518] {strides = array<i32>} : memref<64x768xf32, #tpu.memory_space<vmem>>, vector<1x16xf32>,
      %get3A_520 = vector.shape_cast %get3A_519 : vector<1x16xf32> to vector<16xf32>
      %add3A_521 = arith.addf %get3A_516, %get3A_520 : vector<16xf32>
      %mul3A_522 = arith.constant 5.000000e-01 : f32
      %mul3A_523 = vector.broadcast %mul3A_522 : f32 to vector<16xf32>
      %mul3A_524 = arith.mulf %add3A_521, %mul3A_523 : vector<16xf32>
      %swap3A_525 = arith.index_cast %scan3A_20 : i32 to index
      %swap3A_526 = arith.constant 464 : index
      %swap3A_527 = tpu.vector_load %arg7[%swap3A_525, %swap3A_526] {strides = array<i32>} : memref<64x768xf32, #tpu.memory_space<vmem>>, vector<1x16xf32>,
      %swap3A_528 = vector.shape_cast %swap3A_527 : vector<1x16xf32> to vector<16xf32>
      %swap3A_529 = vector.shape_cast %mul3A_524 : vector<16xf32> to vector<1x16xf32>
      tpu.vector_store %arg7[%swap3A_525, %swap3A_526], %swap3A_529 {strides = array<i32>} : memref<64x768xf32, #tpu.memory_space<vmem>>, vector<1x16xf32>,
      %get3A_530 = arith.index_cast %scan3A_20 : i32 to index
      %get3A_531 = arith.constant 480 : index
      %get3A_532 = tpu.vector_load %arg7[%get3A_530, %get3A_531] {strides = array<i32>} : memref<64x768xf32, #tpu.memory_space<vmem>>, vector<1x16xf32>,
      %get3A_533 = vector.shape_cast %get3A_532 : vector<1x16xf32> to vector<16xf32>
      %get3A_534 = arith.index_cast %scan3A_20 : i32 to index
      %get3A_535 = arith.constant 480 : index
      %get3A_536 = tpu.vector_load %arg8[%get3A_534, %get3A_535] {strides = array<i32>} : memref<64x768xf32, #tpu.memory_space<vmem>>, vector<1x16xf32>,
      %get3A_537 = vector.shape_cast %get3A_536 : vector<1x16xf32> to vector<16xf32>
      %add3A_538 = arith.addf %get3A_533, %get3A_537 : vector<16xf32>
      %mul3A_539 = arith.constant 5.000000e-01 : f32
      %mul3A_540 = vector.broadcast %mul3A_539 : f32 to vector<16xf32>
      %mul3A_541 = arith.mulf %add3A_538, %mul3A_540 : vector<16xf32>
      %swap3A_542 = arith.index_cast %scan3A_20 : i32 to index
      %swap3A_543 = arith.constant 480 : index
      %swap3A_544 = tpu.vector_load %arg7[%swap3A_542, %swap3A_543] {strides = array<i32>} : memref<64x768xf32, #tpu.memory_space<vmem>>, vector<1x16xf32>,
      %swap3A_545 = vector.shape_cast %swap3A_544 : vector<1x16xf32> to vector<16xf32>
      %swap3A_546 = vector.shape_cast %mul3A_541 : vector<16xf32> to vector<1x16xf32>
      tpu.vector_store %arg7[%swap3A_542, %swap3A_543], %swap3A_546 {strides = array<i32>} : memref<64x768xf32, #tpu.memory_space<vmem>>, vector<1x16xf32>,
      %get3A_547 = arith.index_cast %scan3A_20 : i32 to index
      %get3A_548 = arith.constant 496 : index
      %get3A_549 = tpu.vector_load %arg7[%get3A_547, %get3A_548] {strides = array<i32>} : memref<64x768xf32, #tpu.memory_space<vmem>>, vector<1x16xf32>,
      %get3A_550 = vector.shape_cast %get3A_549 : vector<1x16xf32> to vector<16xf32>
      %get3A_551 = arith.index_cast %scan3A_20 : i32 to index
      %get3A_552 = arith.constant 496 : index
      %get3A_553 = tpu.vector_load %arg8[%get3A_551, %get3A_552] {strides = array<i32>} : memref<64x768xf32, #tpu.memory_space<vmem>>, vector<1x16xf32>,
      %get3A_554 = vector.shape_cast %get3A_553 : vector<1x16xf32> to vector<16xf32>
      %add3A_555 = arith.addf %get3A_550, %get3A_554 : vector<16xf32>
      %mul3A_556 = arith.constant 5.000000e-01 : f32
      %mul3A_557 = vector.broadcast %mul3A_556 : f32 to vector<16xf32>
      %mul3A_558 = arith.mulf %add3A_555, %mul3A_557 : vector<16xf32>
      %swap3A_559 = arith.index_cast %scan3A_20 : i32 to index
      %swap3A_560 = arith.constant 496 : index
      %swap3A_561 = tpu.vector_load %arg7[%swap3A_559, %swap3A_560] {strides = array<i32>} : memref<64x768xf32, #tpu.memory_space<vmem>>, vector<1x16xf32>,
      %swap3A_562 = vector.shape_cast %swap3A_561 : vector<1x16xf32> to vector<16xf32>
      %swap3A_563 = vector.shape_cast %mul3A_558 : vector<16xf32> to vector<1x16xf32>
      tpu.vector_store %arg7[%swap3A_559, %swap3A_560], %swap3A_563 {strides = array<i32>} : memref<64x768xf32, #tpu.memory_space<vmem>>, vector<1x16xf32>,
      %get3A_564 = arith.index_cast %scan3A_20 : i32 to index
      %get3A_565 = arith.constant 512 : index
      %get3A_566 = tpu.vector_load %arg7[%get3A_564, %get3A_565] {strides = array<i32>} : memref<64x768xf32, #tpu.memory_space<vmem>>, vector<1x16xf32>,
      %get3A_567 = vector.shape_cast %get3A_566 : vector<1x16xf32> to vector<16xf32>
      %get3A_568 = arith.index_cast %scan3A_20 : i32 to index
      %get3A_569 = arith.constant 512 : index
      %get3A_570 = tpu.vector_load %arg8[%get3A_568, %get3A_569] {strides = array<i32>} : memref<64x768xf32, #tpu.memory_space<vmem>>, vector<1x16xf32>,
      %get3A_571 = vector.shape_cast %get3A_570 : vector<1x16xf32> to vector<16xf32>
      %add3A_572 = arith.addf %get3A_567, %get3A_571 : vector<16xf32>
      %mul3A_573 = arith.constant 5.000000e-01 : f32
      %mul3A_574 = vector.broadcast %mul3A_573 : f32 to vector<16xf32>
      %mul3A_575 = arith.mulf %add3A_572, %mul3A_574 : vector<16xf32>
      %swap3A_576 = arith.index_cast %scan3A_20 : i32 to index
      %swap3A_577 = arith.constant 512 : index
      %swap3A_578 = tpu.vector_load %arg7[%swap3A_576, %swap3A_577] {strides = array<i32>} : memref<64x768xf32, #tpu.memory_space<vmem>>, vector<1x16xf32>,
      %swap3A_579 = vector.shape_cast %swap3A_578 : vector<1x16xf32> to vector<16xf32>
      %swap3A_580 = vector.shape_cast %mul3A_575 : vector<16xf32> to vector<1x16xf32>
      tpu.vector_store %arg7[%swap3A_576, %swap3A_577], %swap3A_580 {strides = array<i32>} : memref<64x768xf32, #tpu.memory_space<vmem>>, vector<1x16xf32>,
      %get3A_581 = arith.index_cast %scan3A_20 : i32 to index
      %get3A_582 = arith.constant 528 : index
      %get3A_583 = tpu.vector_load %arg7[%get3A_581, %get3A_582] {strides = array<i32>} : memref<64x768xf32, #tpu.memory_space<vmem>>, vector<1x16xf32>,
      %get3A_584 = vector.shape_cast %get3A_583 : vector<1x16xf32> to vector<16xf32>
      %get3A_585 = arith.index_cast %scan3A_20 : i32 to index
      %get3A_586 = arith.constant 528 : index
      %get3A_587 = tpu.vector_load %arg8[%get3A_585, %get3A_586] {strides = array<i32>} : memref<64x768xf32, #tpu.memory_space<vmem>>, vector<1x16xf32>,
      %get3A_588 = vector.shape_cast %get3A_587 : vector<1x16xf32> to vector<16xf32>
      %add3A_589 = arith.addf %get3A_584, %get3A_588 : vector<16xf32>
      %mul3A_590 = arith.constant 5.000000e-01 : f32
      %mul3A_591 = vector.broadcast %mul3A_590 : f32 to vector<16xf32>
      %mul3A_592 = arith.mulf %add3A_589, %mul3A_591 : vector<16xf32>
      %swap3A_593 = arith.index_cast %scan3A_20 : i32 to index
      %swap3A_594 = arith.constant 528 : index
      %swap3A_595 = tpu.vector_load %arg7[%swap3A_593, %swap3A_594] {strides = array<i32>} : memref<64x768xf32, #tpu.memory_space<vmem>>, vector<1x16xf32>,
      %swap3A_596 = vector.shape_cast %swap3A_595 : vector<1x16xf32> to vector<16xf32>
      %swap3A_597 = vector.shape_cast %mul3A_592 : vector<16xf32> to vector<1x16xf32>
      tpu.vector_store %arg7[%swap3A_593, %swap3A_594], %swap3A_597 {strides = array<i32>} : memref<64x768xf32, #tpu.memory_space<vmem>>, vector<1x16xf32>,
      %get3A_598 = arith.index_cast %scan3A_20 : i32 to index
      %get3A_599 = arith.constant 544 : index
      %get3A_600 = tpu.vector_load %arg7[%get3A_598, %get3A_599] {strides = array<i32>} : memref<64x768xf32, #tpu.memory_space<vmem>>, vector<1x16xf32>,
      %get3A_601 = vector.shape_cast %get3A_600 : vector<1x16xf32> to vector<16xf32>
      %get3A_602 = arith.index_cast %scan3A_20 : i32 to index
      %get3A_603 = arith.constant 544 : index
      %get3A_604 = tpu.vector_load %arg8[%get3A_602, %get3A_603] {strides = array<i32>} : memref<64x768xf32, #tpu.memory_space<vmem>>, vector<1x16xf32>,
      %get3A_605 = vector.shape_cast %get3A_604 : vector<1x16xf32> to vector<16xf32>
      %add3A_606 = arith.addf %get3A_601, %get3A_605 : vector<16xf32>
      %mul3A_607 = arith.constant 5.000000e-01 : f32
      %mul3A_608 = vector.broadcast %mul3A_607 : f32 to vector<16xf32>
      %mul3A_609 = arith.mulf %add3A_606, %mul3A_608 : vector<16xf32>
      %swap3A_610 = arith.index_cast %scan3A_20 : i32 to index
      %swap3A_611 = arith.constant 544 : index
      %swap3A_612 = tpu.vector_load %arg7[%swap3A_610, %swap3A_611] {strides = array<i32>} : memref<64x768xf32, #tpu.memory_space<vmem>>, vector<1x16xf32>,
      %swap3A_613 = vector.shape_cast %swap3A_612 : vector<1x16xf32> to vector<16xf32>
      %swap3A_614 = vector.shape_cast %mul3A_609 : vector<16xf32> to vector<1x16xf32>
      tpu.vector_store %arg7[%swap3A_610, %swap3A_611], %swap3A_614 {strides = array<i32>} : memref<64x768xf32, #tpu.memory_space<vmem>>, vector<1x16xf32>,
      %get3A_615 = arith.index_cast %scan3A_20 : i32 to index
      %get3A_616 = arith.constant 560 : index
      %get3A_617 = tpu.vector_load %arg7[%get3A_615, %get3A_616] {strides = array<i32>} : memref<64x768xf32, #tpu.memory_space<vmem>>, vector<1x16xf32>,
      %get3A_618 = vector.shape_cast %get3A_617 : vector<1x16xf32> to vector<16xf32>
      %get3A_619 = arith.index_cast %scan3A_20 : i32 to index
      %get3A_620 = arith.constant 560 : index
      %get3A_621 = tpu.vector_load %arg8[%get3A_619, %get3A_620] {strides = array<i32>} : memref<64x768xf32, #tpu.memory_space<vmem>>, vector<1x16xf32>,
      %get3A_622 = vector.shape_cast %get3A_621 : vector<1x16xf32> to vector<16xf32>
      %add3A_623 = arith.addf %get3A_618, %get3A_622 : vector<16xf32>
      %mul3A_624 = arith.constant 5.000000e-01 : f32
      %mul3A_625 = vector.broadcast %mul3A_624 : f32 to vector<16xf32>
      %mul3A_626 = arith.mulf %add3A_623, %mul3A_625 : vector<16xf32>
      %swap3A_627 = arith.index_cast %scan3A_20 : i32 to index
      %swap3A_628 = arith.constant 560 : index
      %swap3A_629 = tpu.vector_load %arg7[%swap3A_627, %swap3A_628] {strides = array<i32>} : memref<64x768xf32, #tpu.memory_space<vmem>>, vector<1x16xf32>,
      %swap3A_630 = vector.shape_cast %swap3A_629 : vector<1x16xf32> to vector<16xf32>
      %swap3A_631 = vector.shape_cast %mul3A_626 : vector<16xf32> to vector<1x16xf32>
      tpu.vector_store %arg7[%swap3A_627, %swap3A_628], %swap3A_631 {strides = array<i32>} : memref<64x768xf32, #tpu.memory_space<vmem>>, vector<1x16xf32>,
      %get3A_632 = arith.index_cast %scan3A_20 : i32 to index
      %get3A_633 = arith.constant 576 : index
      %get3A_634 = tpu.vector_load %arg7[%get3A_632, %get3A_633] {strides = array<i32>} : memref<64x768xf32, #tpu.memory_space<vmem>>, vector<1x16xf32>,
      %get3A_635 = vector.shape_cast %get3A_634 : vector<1x16xf32> to vector<16xf32>
      %get3A_636 = arith.index_cast %scan3A_20 : i32 to index
      %get3A_637 = arith.constant 576 : index
      %get3A_638 = tpu.vector_load %arg8[%get3A_636, %get3A_637] {strides = array<i32>} : memref<64x768xf32, #tpu.memory_space<vmem>>, vector<1x16xf32>,
      %get3A_639 = vector.shape_cast %get3A_638 : vector<1x16xf32> to vector<16xf32>
      %add3A_640 = arith.addf %get3A_635, %get3A_639 : vector<16xf32>
      %mul3A_641 = arith.constant 5.000000e-01 : f32
      %mul3A_642 = vector.broadcast %mul3A_641 : f32 to vector<16xf32>
      %mul3A_643 = arith.mulf %add3A_640, %mul3A_642 : vector<16xf32>
      %swap3A_644 = arith.index_cast %scan3A_20 : i32 to index
      %swap3A_645 = arith.constant 576 : index
      %swap3A_646 = tpu.vector_load %arg7[%swap3A_644, %swap3A_645] {strides = array<i32>} : memref<64x768xf32, #tpu.memory_space<vmem>>, vector<1x16xf32>,
      %swap3A_647 = vector.shape_cast %swap3A_646 : vector<1x16xf32> to vector<16xf32>
      %swap3A_648 = vector.shape_cast %mul3A_643 : vector<16xf32> to vector<1x16xf32>
      tpu.vector_store %arg7[%swap3A_644, %swap3A_645], %swap3A_648 {strides = array<i32>} : memref<64x768xf32, #tpu.memory_space<vmem>>, vector<1x16xf32>,
      %get3A_649 = arith.index_cast %scan3A_20 : i32 to index
      %get3A_650 = arith.constant 592 : index
      %get3A_651 = tpu.vector_load %arg7[%get3A_649, %get3A_650] {strides = array<i32>} : memref<64x768xf32, #tpu.memory_space<vmem>>, vector<1x16xf32>,
      %get3A_652 = vector.shape_cast %get3A_651 : vector<1x16xf32> to vector<16xf32>
      %get3A_653 = arith.index_cast %scan3A_20 : i32 to index
      %get3A_654 = arith.constant 592 : index
      %get3A_655 = tpu.vector_load %arg8[%get3A_653, %get3A_654] {strides = array<i32>} : memref<64x768xf32, #tpu.memory_space<vmem>>, vector<1x16xf32>,
      %get3A_656 = vector.shape_cast %get3A_655 : vector<1x16xf32> to vector<16xf32>
      %add3A_657 = arith.addf %get3A_652, %get3A_656 : vector<16xf32>
      %mul3A_658 = arith.constant 5.000000e-01 : f32
      %mul3A_659 = vector.broadcast %mul3A_658 : f32 to vector<16xf32>
      %mul3A_660 = arith.mulf %add3A_657, %mul3A_659 : vector<16xf32>
      %swap3A_661 = arith.index_cast %scan3A_20 : i32 to index
      %swap3A_662 = arith.constant 592 : index
      %swap3A_663 = tpu.vector_load %arg7[%swap3A_661, %swap3A_662] {strides = array<i32>} : memref<64x768xf32, #tpu.memory_space<vmem>>, vector<1x16xf32>,
      %swap3A_664 = vector.shape_cast %swap3A_663 : vector<1x16xf32> to vector<16xf32>
      %swap3A_665 = vector.shape_cast %mul3A_660 : vector<16xf32> to vector<1x16xf32>
      tpu.vector_store %arg7[%swap3A_661, %swap3A_662], %swap3A_665 {strides = array<i32>} : memref<64x768xf32, #tpu.memory_space<vmem>>, vector<1x16xf32>,
      %get3A_666 = arith.index_cast %scan3A_20 : i32 to index
      %get3A_667 = arith.constant 608 : index
      %get3A_668 = tpu.vector_load %arg7[%get3A_666, %get3A_667] {strides = array<i32>} : memref<64x768xf32, #tpu.memory_space<vmem>>, vector<1x16xf32>,
      %get3A_669 = vector.shape_cast %get3A_668 : vector<1x16xf32> to vector<16xf32>
      %get3A_670 = arith.index_cast %scan3A_20 : i32 to index
      %get3A_671 = arith.constant 608 : index
      %get3A_672 = tpu.vector_load %arg8[%get3A_670, %get3A_671] {strides = array<i32>} : memref<64x768xf32, #tpu.memory_space<vmem>>, vector<1x16xf32>,
      %get3A_673 = vector.shape_cast %get3A_672 : vector<1x16xf32> to vector<16xf32>
      %add3A_674 = arith.addf %get3A_669, %get3A_673 : vector<16xf32>
      %mul3A_675 = arith.constant 5.000000e-01 : f32
      %mul3A_676 = vector.broadcast %mul3A_675 : f32 to vector<16xf32>
      %mul3A_677 = arith.mulf %add3A_674, %mul3A_676 : vector<16xf32>
      %swap3A_678 = arith.index_cast %scan3A_20 : i32 to index
      %swap3A_679 = arith.constant 608 : index
      %swap3A_680 = tpu.vector_load %arg7[%swap3A_678, %swap3A_679] {strides = array<i32>} : memref<64x768xf32, #tpu.memory_space<vmem>>, vector<1x16xf32>,
      %swap3A_681 = vector.shape_cast %swap3A_680 : vector<1x16xf32> to vector<16xf32>
      %swap3A_682 = vector.shape_cast %mul3A_677 : vector<16xf32> to vector<1x16xf32>
      tpu.vector_store %arg7[%swap3A_678, %swap3A_679], %swap3A_682 {strides = array<i32>} : memref<64x768xf32, #tpu.memory_space<vmem>>, vector<1x16xf32>,
      %get3A_683 = arith.index_cast %scan3A_20 : i32 to index
      %get3A_684 = arith.constant 624 : index
      %get3A_685 = tpu.vector_load %arg7[%get3A_683, %get3A_684] {strides = array<i32>} : memref<64x768xf32, #tpu.memory_space<vmem>>, vector<1x16xf32>,
      %get3A_686 = vector.shape_cast %get3A_685 : vector<1x16xf32> to vector<16xf32>
      %get3A_687 = arith.index_cast %scan3A_20 : i32 to index
      %get3A_688 = arith.constant 624 : index
      %get3A_689 = tpu.vector_load %arg8[%get3A_687, %get3A_688] {strides = array<i32>} : memref<64x768xf32, #tpu.memory_space<vmem>>, vector<1x16xf32>,
      %get3A_690 = vector.shape_cast %get3A_689 : vector<1x16xf32> to vector<16xf32>
      %add3A_691 = arith.addf %get3A_686, %get3A_690 : vector<16xf32>
      %mul3A_692 = arith.constant 5.000000e-01 : f32
      %mul3A_693 = vector.broadcast %mul3A_692 : f32 to vector<16xf32>
      %mul3A_694 = arith.mulf %add3A_691, %mul3A_693 : vector<16xf32>
      %swap3A_695 = arith.index_cast %scan3A_20 : i32 to index
      %swap3A_696 = arith.constant 624 : index
      %swap3A_697 = tpu.vector_load %arg7[%swap3A_695, %swap3A_696] {strides = array<i32>} : memref<64x768xf32, #tpu.memory_space<vmem>>, vector<1x16xf32>,
      %swap3A_698 = vector.shape_cast %swap3A_697 : vector<1x16xf32> to vector<16xf32>
      %swap3A_699 = vector.shape_cast %mul3A_694 : vector<16xf32> to vector<1x16xf32>
      tpu.vector_store %arg7[%swap3A_695, %swap3A_696], %swap3A_699 {strides = array<i32>} : memref<64x768xf32, #tpu.memory_space<vmem>>, vector<1x16xf32>,
      %get3A_700 = arith.index_cast %scan3A_20 : i32 to index
      %get3A_701 = arith.constant 640 : index
      %get3A_702 = tpu.vector_load %arg7[%get3A_700, %get3A_701] {strides = array<i32>} : memref<64x768xf32, #tpu.memory_space<vmem>>, vector<1x16xf32>,
      %get3A_703 = vector.shape_cast %get3A_702 : vector<1x16xf32> to vector<16xf32>
      %get3A_704 = arith.index_cast %scan3A_20 : i32 to index
      %get3A_705 = arith.constant 640 : index
      %get3A_706 = tpu.vector_load %arg8[%get3A_704, %get3A_705] {strides = array<i32>} : memref<64x768xf32, #tpu.memory_space<vmem>>, vector<1x16xf32>,
      %get3A_707 = vector.shape_cast %get3A_706 : vector<1x16xf32> to vector<16xf32>
      %add3A_708 = arith.addf %get3A_703, %get3A_707 : vector<16xf32>
      %mul3A_709 = arith.constant 5.000000e-01 : f32
      %mul3A_710 = vector.broadcast %mul3A_709 : f32 to vector<16xf32>
      %mul3A_711 = arith.mulf %add3A_708, %mul3A_710 : vector<16xf32>
      %swap3A_712 = arith.index_cast %scan3A_20 : i32 to index
      %swap3A_713 = arith.constant 640 : index
      %swap3A_714 = tpu.vector_load %arg7[%swap3A_712, %swap3A_713] {strides = array<i32>} : memref<64x768xf32, #tpu.memory_space<vmem>>, vector<1x16xf32>,
      %swap3A_715 = vector.shape_cast %swap3A_714 : vector<1x16xf32> to vector<16xf32>
      %swap3A_716 = vector.shape_cast %mul3A_711 : vector<16xf32> to vector<1x16xf32>
      tpu.vector_store %arg7[%swap3A_712, %swap3A_713], %swap3A_716 {strides = array<i32>} : memref<64x768xf32, #tpu.memory_space<vmem>>, vector<1x16xf32>,
      %get3A_717 = arith.index_cast %scan3A_20 : i32 to index
      %get3A_718 = arith.constant 656 : index
      %get3A_719 = tpu.vector_load %arg7[%get3A_717, %get3A_718] {strides = array<i32>} : memref<64x768xf32, #tpu.memory_space<vmem>>, vector<1x16xf32>,
      %get3A_720 = vector.shape_cast %get3A_719 : vector<1x16xf32> to vector<16xf32>
      %get3A_721 = arith.index_cast %scan3A_20 : i32 to index
      %get3A_722 = arith.constant 656 : index
      %get3A_723 = tpu.vector_load %arg8[%get3A_721, %get3A_722] {strides = array<i32>} : memref<64x768xf32, #tpu.memory_space<vmem>>, vector<1x16xf32>,
      %get3A_724 = vector.shape_cast %get3A_723 : vector<1x16xf32> to vector<16xf32>
      %add3A_725 = arith.addf %get3A_720, %get3A_724 : vector<16xf32>
      %mul3A_726 = arith.constant 5.000000e-01 : f32
      %mul3A_727 = vector.broadcast %mul3A_726 : f32 to vector<16xf32>
      %mul3A_728 = arith.mulf %add3A_725, %mul3A_727 : vector<16xf32>
      %swap3A_729 = arith.index_cast %scan3A_20 : i32 to index
      %swap3A_730 = arith.constant 656 : index
      %swap3A_731 = tpu.vector_load %arg7[%swap3A_729, %swap3A_730] {strides = array<i32>} : memref<64x768xf32, #tpu.memory_space<vmem>>, vector<1x16xf32>,
      %swap3A_732 = vector.shape_cast %swap3A_731 : vector<1x16xf32> to vector<16xf32>
      %swap3A_733 = vector.shape_cast %mul3A_728 : vector<16xf32> to vector<1x16xf32>
      tpu.vector_store %arg7[%swap3A_729, %swap3A_730], %swap3A_733 {strides = array<i32>} : memref<64x768xf32, #tpu.memory_space<vmem>>, vector<1x16xf32>,
      %get3A_734 = arith.index_cast %scan3A_20 : i32 to index
      %get3A_735 = arith.constant 672 : index
      %get3A_736 = tpu.vector_load %arg7[%get3A_734, %get3A_735] {strides = array<i32>} : memref<64x768xf32, #tpu.memory_space<vmem>>, vector<1x16xf32>,
      %get3A_737 = vector.shape_cast %get3A_736 : vector<1x16xf32> to vector<16xf32>
      %get3A_738 = arith.index_cast %scan3A_20 : i32 to index
      %get3A_739 = arith.constant 672 : index
      %get3A_740 = tpu.vector_load %arg8[%get3A_738, %get3A_739] {strides = array<i32>} : memref<64x768xf32, #tpu.memory_space<vmem>>, vector<1x16xf32>,
      %get3A_741 = vector.shape_cast %get3A_740 : vector<1x16xf32> to vector<16xf32>
      %add3A_742 = arith.addf %get3A_737, %get3A_741 : vector<16xf32>
      %mul3A_743 = arith.constant 5.000000e-01 : f32
      %mul3A_744 = vector.broadcast %mul3A_743 : f32 to vector<16xf32>
      %mul3A_745 = arith.mulf %add3A_742, %mul3A_744 : vector<16xf32>
      %swap3A_746 = arith.index_cast %scan3A_20 : i32 to index
      %swap3A_747 = arith.constant 672 : index
      %swap3A_748 = tpu.vector_load %arg7[%swap3A_746, %swap3A_747] {strides = array<i32>} : memref<64x768xf32, #tpu.memory_space<vmem>>, vector<1x16xf32>,
      %swap3A_749 = vector.shape_cast %swap3A_748 : vector<1x16xf32> to vector<16xf32>
      %swap3A_750 = vector.shape_cast %mul3A_745 : vector<16xf32> to vector<1x16xf32>
      tpu.vector_store %arg7[%swap3A_746, %swap3A_747], %swap3A_750 {strides = array<i32>} : memref<64x768xf32, #tpu.memory_space<vmem>>, vector<1x16xf32>,
      %get3A_751 = arith.index_cast %scan3A_20 : i32 to index
      %get3A_752 = arith.constant 688 : index
      %get3A_753 = tpu.vector_load %arg7[%get3A_751, %get3A_752] {strides = array<i32>} : memref<64x768xf32, #tpu.memory_space<vmem>>, vector<1x16xf32>,
      %get3A_754 = vector.shape_cast %get3A_753 : vector<1x16xf32> to vector<16xf32>
      %get3A_755 = arith.index_cast %scan3A_20 : i32 to index
      %get3A_756 = arith.constant 688 : index
      %get3A_757 = tpu.vector_load %arg8[%get3A_755, %get3A_756] {strides = array<i32>} : memref<64x768xf32, #tpu.memory_space<vmem>>, vector<1x16xf32>,
      %get3A_758 = vector.shape_cast %get3A_757 : vector<1x16xf32> to vector<16xf32>
      %add3A_759 = arith.addf %get3A_754, %get3A_758 : vector<16xf32>
      %mul3A_760 = arith.constant 5.000000e-01 : f32
      %mul3A_761 = vector.broadcast %mul3A_760 : f32 to vector<16xf32>
      %mul3A_762 = arith.mulf %add3A_759, %mul3A_761 : vector<16xf32>
      %swap3A_763 = arith.index_cast %scan3A_20 : i32 to index
      %swap3A_764 = arith.constant 688 : index
      %swap3A_765 = tpu.vector_load %arg7[%swap3A_763, %swap3A_764] {strides = array<i32>} : memref<64x768xf32, #tpu.memory_space<vmem>>, vector<1x16xf32>,
      %swap3A_766 = vector.shape_cast %swap3A_765 : vector<1x16xf32> to vector<16xf32>
      %swap3A_767 = vector.shape_cast %mul3A_762 : vector<16xf32> to vector<1x16xf32>
      tpu.vector_store %arg7[%swap3A_763, %swap3A_764], %swap3A_767 {strides = array<i32>} : memref<64x768xf32, #tpu.memory_space<vmem>>, vector<1x16xf32>,
      %get3A_768 = arith.index_cast %scan3A_20 : i32 to index
      %get3A_769 = arith.constant 704 : index
      %get3A_770 = tpu.vector_load %arg7[%get3A_768, %get3A_769] {strides = array<i32>} : memref<64x768xf32, #tpu.memory_space<vmem>>, vector<1x16xf32>,
      %get3A_771 = vector.shape_cast %get3A_770 : vector<1x16xf32> to vector<16xf32>
      %get3A_772 = arith.index_cast %scan3A_20 : i32 to index
      %get3A_773 = arith.constant 704 : index
      %get3A_774 = tpu.vector_load %arg8[%get3A_772, %get3A_773] {strides = array<i32>} : memref<64x768xf32, #tpu.memory_space<vmem>>, vector<1x16xf32>,
      %get3A_775 = vector.shape_cast %get3A_774 : vector<1x16xf32> to vector<16xf32>
      %add3A_776 = arith.addf %get3A_771, %get3A_775 : vector<16xf32>
      %mul3A_777 = arith.constant 5.000000e-01 : f32
      %mul3A_778 = vector.broadcast %mul3A_777 : f32 to vector<16xf32>
      %mul3A_779 = arith.mulf %add3A_776, %mul3A_778 : vector<16xf32>
      %swap3A_780 = arith.index_cast %scan3A_20 : i32 to index
      %swap3A_781 = arith.constant 704 : index
      %swap3A_782 = tpu.vector_load %arg7[%swap3A_780, %swap3A_781] {strides = array<i32>} : memref<64x768xf32, #tpu.memory_space<vmem>>, vector<1x16xf32>,
      %swap3A_783 = vector.shape_cast %swap3A_782 : vector<1x16xf32> to vector<16xf32>
      %swap3A_784 = vector.shape_cast %mul3A_779 : vector<16xf32> to vector<1x16xf32>
      tpu.vector_store %arg7[%swap3A_780, %swap3A_781], %swap3A_784 {strides = array<i32>} : memref<64x768xf32, #tpu.memory_space<vmem>>, vector<1x16xf32>,
      %get3A_785 = arith.index_cast %scan3A_20 : i32 to index
      %get3A_786 = arith.constant 720 : index
      %get3A_787 = tpu.vector_load %arg7[%get3A_785, %get3A_786] {strides = array<i32>} : memref<64x768xf32, #tpu.memory_space<vmem>>, vector<1x16xf32>,
      %get3A_788 = vector.shape_cast %get3A_787 : vector<1x16xf32> to vector<16xf32>
      %get3A_789 = arith.index_cast %scan3A_20 : i32 to index
      %get3A_790 = arith.constant 720 : index
      %get3A_791 = tpu.vector_load %arg8[%get3A_789, %get3A_790] {strides = array<i32>} : memref<64x768xf32, #tpu.memory_space<vmem>>, vector<1x16xf32>,
      %get3A_792 = vector.shape_cast %get3A_791 : vector<1x16xf32> to vector<16xf32>
      %add3A_793 = arith.addf %get3A_788, %get3A_792 : vector<16xf32>
      %mul3A_794 = arith.constant 5.000000e-01 : f32
      %mul3A_795 = vector.broadcast %mul3A_794 : f32 to vector<16xf32>
      %mul3A_796 = arith.mulf %add3A_793, %mul3A_795 : vector<16xf32>
      %swap3A_797 = arith.index_cast %scan3A_20 : i32 to index
      %swap3A_798 = arith.constant 720 : index
      %swap3A_799 = tpu.vector_load %arg7[%swap3A_797, %swap3A_798] {strides = array<i32>} : memref<64x768xf32, #tpu.memory_space<vmem>>, vector<1x16xf32>,
      %swap3A_800 = vector.shape_cast %swap3A_799 : vector<1x16xf32> to vector<16xf32>
      %swap3A_801 = vector.shape_cast %mul3A_796 : vector<16xf32> to vector<1x16xf32>
      tpu.vector_store %arg7[%swap3A_797, %swap3A_798], %swap3A_801 {strides = array<i32>} : memref<64x768xf32, #tpu.memory_space<vmem>>, vector<1x16xf32>,
      %get3A_802 = arith.index_cast %scan3A_20 : i32 to index
      %get3A_803 = arith.constant 736 : index
      %get3A_804 = tpu.vector_load %arg7[%get3A_802, %get3A_803] {strides = array<i32>} : memref<64x768xf32, #tpu.memory_space<vmem>>, vector<1x16xf32>,
      %get3A_805 = vector.shape_cast %get3A_804 : vector<1x16xf32> to vector<16xf32>
      %get3A_806 = arith.index_cast %scan3A_20 : i32 to index
      %get3A_807 = arith.constant 736 : index
      %get3A_808 = tpu.vector_load %arg8[%get3A_806, %get3A_807] {strides = array<i32>} : memref<64x768xf32, #tpu.memory_space<vmem>>, vector<1x16xf32>,
      %get3A_809 = vector.shape_cast %get3A_808 : vector<1x16xf32> to vector<16xf32>
      %add3A_810 = arith.addf %get3A_805, %get3A_809 : vector<16xf32>
      %mul3A_811 = arith.constant 5.000000e-01 : f32
      %mul3A_812 = vector.broadcast %mul3A_811 : f32 to vector<16xf32>
      %mul3A_813 = arith.mulf %add3A_810, %mul3A_812 : vector<16xf32>
      %swap3A_814 = arith.index_cast %scan3A_20 : i32 to index
      %swap3A_815 = arith.constant 736 : index
      %swap3A_816 = tpu.vector_load %arg7[%swap3A_814, %swap3A_815] {strides = array<i32>} : memref<64x768xf32, #tpu.memory_space<vmem>>, vector<1x16xf32>,
      %swap3A_817 = vector.shape_cast %swap3A_816 : vector<1x16xf32> to vector<16xf32>
      %swap3A_818 = vector.shape_cast %mul3A_813 : vector<16xf32> to vector<1x16xf32>
      tpu.vector_store %arg7[%swap3A_814, %swap3A_815], %swap3A_818 {strides = array<i32>} : memref<64x768xf32, #tpu.memory_space<vmem>>, vector<1x16xf32>,
      %get3A_819 = arith.index_cast %scan3A_20 : i32 to index
      %get3A_820 = arith.constant 752 : index
      %get3A_821 = tpu.vector_load %arg7[%get3A_819, %get3A_820] {strides = array<i32>} : memref<64x768xf32, #tpu.memory_space<vmem>>, vector<1x16xf32>,
      %get3A_822 = vector.shape_cast %get3A_821 : vector<1x16xf32> to vector<16xf32>
      %get3A_823 = arith.index_cast %scan3A_20 : i32 to index
      %get3A_824 = arith.constant 752 : index
      %get3A_825 = tpu.vector_load %arg8[%get3A_823, %get3A_824] {strides = array<i32>} : memref<64x768xf32, #tpu.memory_space<vmem>>, vector<1x16xf32>,
      %get3A_826 = vector.shape_cast %get3A_825 : vector<1x16xf32> to vector<16xf32>
      %add3A_827 = arith.addf %get3A_822, %get3A_826 : vector<16xf32>
      %mul3A_828 = arith.constant 5.000000e-01 : f32
      %mul3A_829 = vector.broadcast %mul3A_828 : f32 to vector<16xf32>
      %mul3A_830 = arith.mulf %add3A_827, %mul3A_829 : vector<16xf32>
      %swap3A_831 = arith.index_cast %scan3A_20 : i32 to index
      %swap3A_832 = arith.constant 752 : index
      %swap3A_833 = tpu.vector_load %arg7[%swap3A_831, %swap3A_832] {strides = array<i32>} : memref<64x768xf32, #tpu.memory_space<vmem>>, vector<1x16xf32>,
      %swap3A_834 = vector.shape_cast %swap3A_833 : vector<1x16xf32> to vector<16xf32>
      %swap3A_835 = vector.shape_cast %mul3A_830 : vector<16xf32> to vector<1x16xf32>
      tpu.vector_store %arg7[%swap3A_831, %swap3A_832], %swap3A_835 {strides = array<i32>} : memref<64x768xf32, #tpu.memory_space<vmem>>, vector<1x16xf32>,
      %scan3A_836 = arith.constant 0 : i32
      scf.yield %scan3A_836 : i32
    }
    %scan3A_19 = arith.constant 64 : i32
    "tpu.region"() ({
      %run_scoped3A_20 = tpu.sem_alloc : memref<!tpu.dma_semaphore, #tpu.memory_space<semaphore_mem>>
      %dma_start3A_21 = arith.constant 0 : i32
      %dma_start3A_22 = tpu.memref_slice %arg4[%mul3A_2, %dma_start3A_21] : memref<2048x768xf32, #tpu.memory_space<hbm>> -> memref<64x768xf32, #tpu.memory_space<hbm>>
      %dma_start3A_23 = arith.constant 0 : i32
      %dma_start3A_24 = tpu.memref_slice %arg4[%mul3A_2, %dma_start3A_23] : memref<2048x768xf32, #tpu.memory_space<hbm>> -> memref<64x768xf32, #tpu.memory_space<hbm>>
      tpu.enqueue_dma source(%arg7 : memref<64x768xf32, #tpu.memory_space<vmem>>) target(%dma_start3A_24 : memref<64x768xf32, #tpu.memory_space<hbm>>) target_semaphore(%run_scoped3A_20 : memref<!tpu.dma_semaphore, #tpu.memory_space<semaphore_mem>>)
      %dma_wait3A_25 = arith.constant 0 : i32
      %dma_wait3A_26 = tpu.memref_slice %arg4[%mul3A_2, %dma_wait3A_25] : memref<2048x768xf32, #tpu.memory_space<hbm>> -> memref<64x768xf32, #tpu.memory_space<hbm>>
      %dma_wait3A_27 = arith.constant 0 : i32
      %dma_wait3A_28 = tpu.memref_slice %arg4[%mul3A_2, %dma_wait3A_27] : memref<2048x768xf32, #tpu.memory_space<hbm>> -> memref<64x768xf32, #tpu.memory_space<hbm>>
      tpu.wait_dma2 semaphore(%run_scoped3A_20 : memref<!tpu.dma_semaphore, #tpu.memory_space<semaphore_mem>>) src(%arg7 : memref<64x768xf32, #tpu.memory_space<vmem>>) dst(%dma_wait3A_28 : memref<64x768xf32, #tpu.memory_space<hbm>>)
      tpu.yield
    }) : () -> ()
    return
  }
}

#map = affine_map<(d0, d1) -> (0, 0)>
module attributes {stable_mosaic.version = 14 : i64} {
  func.func @_scatter_body(%arg0: i32, %arg1: i32, %arg2: memref<2048x768xf32, #tpu.memory_space<hbm>>, %arg3: memref<2x2048xi32, #tpu.memory_space<hbm>>, %arg4: memref<5120x768xf32, #tpu.memory_space<hbm>>, %arg5: memref<64xi32, #tpu.memory_space<vmem>>, %arg6: memref<64xi32, #tpu.memory_space<vmem>>, %arg7: memref<64x768xf32, #tpu.memory_space<vmem>>, %arg8: memref<!tpu.dma_semaphore, #tpu.memory_space<semaphore_mem>>) attributes {dimension_semantics = [#tpu.dimension_semantics<core_parallel>, #tpu.dimension_semantics<subcore_parallel>], iteration_bounds = array<i64: 2, 16>, scalar_prefetch = 0 : i64, scratch_operands = 4 : i64, tpu.core_type = #tpu.core_type<sc_vector_subcore>, window_params = [{transform_indices = #map}, {transform_indices = #map}, {transform_indices = #map}]} {
    %mul3A = arith.constant 2 : i32
    %mul3A_0 = arith.muli %arg1, %mul3A : i32
    %add3A = arith.addi %mul3A_0, %arg0 : i32
    %mul3A_1 = arith.constant 64 : i32
    %mul3A_2 = arith.muli %add3A, %mul3A_1 : i32
    %run_scoped3A = arith.constant 0 : i32
    "tpu.region"() ({
      %run_scoped3A_14 = tpu.sem_alloc : memref<!tpu.dma_semaphore, #tpu.memory_space<semaphore_mem>>
      %dma_start3A_15 = tpu.memref_slice %arg3[%run_scoped3A, %mul3A_2] : memref<2x2048xi32, #tpu.memory_space<hbm>> -> memref<1x64xi32, #tpu.memory_space<hbm>>
      %dma_start3A_16 = tpu.memref_squeeze %dma_start3A_15 : memref<1x64xi32, #tpu.memory_space<hbm>> -> memref<64xi32, #tpu.memory_space<hbm>>
      %dma_start3A_17 = tpu.memref_slice %arg3[%run_scoped3A, %mul3A_2] : memref<2x2048xi32, #tpu.memory_space<hbm>> -> memref<1x64xi32, #tpu.memory_space<hbm>>
      %dma_start3A_18 = tpu.memref_squeeze %dma_start3A_17 : memref<1x64xi32, #tpu.memory_space<hbm>> -> memref<64xi32, #tpu.memory_space<hbm>>
      tpu.enqueue_dma source(%dma_start3A_18 : memref<64xi32, #tpu.memory_space<hbm>>) target(%arg5 : memref<64xi32, #tpu.memory_space<vmem>>) target_semaphore(%run_scoped3A_14 : memref<!tpu.dma_semaphore, #tpu.memory_space<semaphore_mem>>)
      %dma_wait3A_19 = tpu.memref_slice %arg3[%run_scoped3A, %mul3A_2] : memref<2x2048xi32, #tpu.memory_space<hbm>> -> memref<1x64xi32, #tpu.memory_space<hbm>>
      %dma_wait3A_20 = tpu.memref_squeeze %dma_wait3A_19 : memref<1x64xi32, #tpu.memory_space<hbm>> -> memref<64xi32, #tpu.memory_space<hbm>>
      %dma_wait3A_21 = tpu.memref_slice %arg3[%run_scoped3A, %mul3A_2] : memref<2x2048xi32, #tpu.memory_space<hbm>> -> memref<1x64xi32, #tpu.memory_space<hbm>>
      %dma_wait3A_22 = tpu.memref_squeeze %dma_wait3A_21 : memref<1x64xi32, #tpu.memory_space<hbm>> -> memref<64xi32, #tpu.memory_space<hbm>>
      tpu.wait_dma2 semaphore(%run_scoped3A_14 : memref<!tpu.dma_semaphore, #tpu.memory_space<semaphore_mem>>) src(%dma_wait3A_22 : memref<64xi32, #tpu.memory_space<hbm>>) dst(%arg5 : memref<64xi32, #tpu.memory_space<vmem>>)
      tpu.yield
    }) : () -> ()
    %run_scoped3A_3 = arith.constant 1 : i32
    "tpu.region"() ({
      %run_scoped3A_14 = tpu.sem_alloc : memref<!tpu.dma_semaphore, #tpu.memory_space<semaphore_mem>>
      %dma_start3A_15 = tpu.memref_slice %arg3[%run_scoped3A_3, %mul3A_2] : memref<2x2048xi32, #tpu.memory_space<hbm>> -> memref<1x64xi32, #tpu.memory_space<hbm>>
      %dma_start3A_16 = tpu.memref_squeeze %dma_start3A_15 : memref<1x64xi32, #tpu.memory_space<hbm>> -> memref<64xi32, #tpu.memory_space<hbm>>
      %dma_start3A_17 = tpu.memref_slice %arg3[%run_scoped3A_3, %mul3A_2] : memref<2x2048xi32, #tpu.memory_space<hbm>> -> memref<1x64xi32, #tpu.memory_space<hbm>>
      %dma_start3A_18 = tpu.memref_squeeze %dma_start3A_17 : memref<1x64xi32, #tpu.memory_space<hbm>> -> memref<64xi32, #tpu.memory_space<hbm>>
      tpu.enqueue_dma source(%dma_start3A_18 : memref<64xi32, #tpu.memory_space<hbm>>) target(%arg6 : memref<64xi32, #tpu.memory_space<vmem>>) target_semaphore(%run_scoped3A_14 : memref<!tpu.dma_semaphore, #tpu.memory_space<semaphore_mem>>)
      %dma_wait3A_19 = tpu.memref_slice %arg3[%run_scoped3A_3, %mul3A_2] : memref<2x2048xi32, #tpu.memory_space<hbm>> -> memref<1x64xi32, #tpu.memory_space<hbm>>
      %dma_wait3A_20 = tpu.memref_squeeze %dma_wait3A_19 : memref<1x64xi32, #tpu.memory_space<hbm>> -> memref<64xi32, #tpu.memory_space<hbm>>
      %dma_wait3A_21 = tpu.memref_slice %arg3[%run_scoped3A_3, %mul3A_2] : memref<2x2048xi32, #tpu.memory_space<hbm>> -> memref<1x64xi32, #tpu.memory_space<hbm>>
      %dma_wait3A_22 = tpu.memref_squeeze %dma_wait3A_21 : memref<1x64xi32, #tpu.memory_space<hbm>> -> memref<64xi32, #tpu.memory_space<hbm>>
      tpu.wait_dma2 semaphore(%run_scoped3A_14 : memref<!tpu.dma_semaphore, #tpu.memory_space<semaphore_mem>>) src(%dma_wait3A_22 : memref<64xi32, #tpu.memory_space<hbm>>) dst(%arg6 : memref<64xi32, #tpu.memory_space<vmem>>)
      tpu.yield
    }) : () -> ()
    "tpu.region"() ({
      %run_scoped3A_14 = tpu.sem_alloc : memref<!tpu.dma_semaphore, #tpu.memory_space<semaphore_mem>>
      %dma_start3A_15 = arith.constant 0 : i32
      %dma_start3A_16 = tpu.memref_slice %arg2[%mul3A_2, %dma_start3A_15] : memref<2048x768xf32, #tpu.memory_space<hbm>> -> memref<64x768xf32, #tpu.memory_space<hbm>>
      %dma_start3A_17 = arith.constant 0 : i32
      %dma_start3A_18 = tpu.memref_slice %arg2[%mul3A_2, %dma_start3A_17] : memref<2048x768xf32, #tpu.memory_space<hbm>> -> memref<64x768xf32, #tpu.memory_space<hbm>>
      tpu.enqueue_dma source(%dma_start3A_18 : memref<64x768xf32, #tpu.memory_space<hbm>>) target(%arg7 : memref<64x768xf32, #tpu.memory_space<vmem>>) target_semaphore(%run_scoped3A_14 : memref<!tpu.dma_semaphore, #tpu.memory_space<semaphore_mem>>)
      %dma_wait3A_19 = arith.constant 0 : i32
      %dma_wait3A_20 = tpu.memref_slice %arg2[%mul3A_2, %dma_wait3A_19] : memref<2048x768xf32, #tpu.memory_space<hbm>> -> memref<64x768xf32, #tpu.memory_space<hbm>>
      %dma_wait3A_21 = arith.constant 0 : i32
      %dma_wait3A_22 = tpu.memref_slice %arg2[%mul3A_2, %dma_wait3A_21] : memref<2048x768xf32, #tpu.memory_space<hbm>> -> memref<64x768xf32, #tpu.memory_space<hbm>>
      tpu.wait_dma2 semaphore(%run_scoped3A_14 : memref<!tpu.dma_semaphore, #tpu.memory_space<semaphore_mem>>) src(%dma_wait3A_22 : memref<64x768xf32, #tpu.memory_space<hbm>>) dst(%arg7 : memref<64x768xf32, #tpu.memory_space<vmem>>)
      tpu.yield
    }) : () -> ()
    %dma_start3A = arith.constant 0 : i32
    %dma_start3A_4 = arith.constant 0 : i32
    %dma_start3A_5 = tpu.memref_slice %arg4[%dma_start3A, %dma_start3A_4] : memref<5120x768xf32, #tpu.memory_space<hbm>> -> memref<5120x768xf32, #tpu.memory_space<hbm>>
    tpu.enqueue_indirect_dma source(%arg7 : memref<64x768xf32, #tpu.memory_space<vmem>>) target(%dma_start3A_5 : memref<5120x768xf32, #tpu.memory_space<hbm>>) offsets(%arg5 : memref<64xi32, #tpu.memory_space<vmem>>) semaphore(%arg8 : memref<!tpu.dma_semaphore, #tpu.memory_space<semaphore_mem>>)
    %dma_start3A_6 = arith.constant 0 : i32
    %dma_start3A_7 = arith.constant 0 : i32
    %dma_start3A_8 = tpu.memref_slice %arg4[%dma_start3A_6, %dma_start3A_7] : memref<5120x768xf32, #tpu.memory_space<hbm>> -> memref<5120x768xf32, #tpu.memory_space<hbm>>
    tpu.enqueue_indirect_dma source(%arg7 : memref<64x768xf32, #tpu.memory_space<vmem>>) target(%dma_start3A_8 : memref<5120x768xf32, #tpu.memory_space<hbm>>) offsets(%arg6 : memref<64xi32, #tpu.memory_space<vmem>>) semaphore(%arg8 : memref<!tpu.dma_semaphore, #tpu.memory_space<semaphore_mem>>)
    %dma_wait3A = arith.constant 0 : i32
    %dma_wait3A_9 = arith.constant 0 : i32
    %dma_wait3A_10 = tpu.memref_slice %arg4[%dma_wait3A, %dma_wait3A_9] : memref<5120x768xf32, #tpu.memory_space<hbm>> -> memref<5120x768xf32, #tpu.memory_space<hbm>>
    tpu.wait_indirect_dma semaphore(%arg8 : memref<!tpu.dma_semaphore, #tpu.memory_space<semaphore_mem>>) src(%arg7 : memref<64x768xf32, #tpu.memory_space<vmem>>) dst(%dma_wait3A_10 : memref<5120x768xf32, #tpu.memory_space<hbm>>)
    %dma_wait3A_11 = arith.constant 0 : i32
    %dma_wait3A_12 = arith.constant 0 : i32
    %dma_wait3A_13 = tpu.memref_slice %arg4[%dma_wait3A_11, %dma_wait3A_12] : memref<5120x768xf32, #tpu.memory_space<hbm>> -> memref<5120x768xf32, #tpu.memory_space<hbm>>
    tpu.wait_indirect_dma semaphore(%arg8 : memref<!tpu.dma_semaphore, #tpu.memory_space<semaphore_mem>>) src(%arg7 : memref<64x768xf32, #tpu.memory_space<vmem>>) dst(%dma_wait3A_13 : memref<5120x768xf32, #tpu.memory_space<hbm>>)
    return
  }
}

module attributes {stable_mosaic.version = 14 : i64} {
  func.func @_mm_kernel(%arg0: i32, %arg1: memref<64xi32, #tpu.memory_space<smem>>, %arg2: memref<128x768xf32, #tpu.memory_space<vmem>>, %arg3: memref<1x768x768xf32, #tpu.memory_space<vmem>>, %arg4: memref<1x1x768xf32, #tpu.memory_space<vmem>>, %arg5: memref<128x768xf32, #tpu.memory_space<vmem>>) attributes {dimension_semantics = [#tpu.dimension_semantics<arbitrary>], iteration_bounds = array<i64: 40>, scalar_prefetch = 1 : i64, scratch_operands = 0 : i64, tpu.core_type = #tpu.core_type<tc>, window_params = [{transform_indices = @transform_0, window_bounds = array<i64: 128, 768>}, {transform_indices = @transform_1, window_bounds = array<i64: 1, 768, 768>}, {transform_indices = @transform_2, window_bounds = array<i64: 1, 1, 768>}, {transform_indices = @transform_3, window_bounds = array<i64: 128, 768>}]} {
    %get3A = arith.constant 0 : index
    %get3A_0 = arith.constant 0 : index
    %get3A_1 = vector.load %arg2[%get3A, %get3A_0] : memref<128x768xf32, #tpu.memory_space<vmem>>, vector<128x768xf32>
    %get3A_2 = arith.constant 0 : index
    %get3A_3 = arith.constant 0 : index
    %get3A_4 = arith.constant 0 : index
    %get3A_5 = vector.load %arg3[%get3A_2, %get3A_3, %get3A_4] : memref<1x768x768xf32, #tpu.memory_space<vmem>>, vector<1x768x768xf32>
    %get3A_6 = vector.shape_cast %get3A_5 : vector<1x768x768xf32> to vector<768x768xf32>
    %dot_general3A = arith.constant dense<0.000000e+00> : vector<128x768xf32>
    %dot_general3A_7 = tpu.matmul %get3A_1, %get3A_6, %dot_general3A {dimension_numbers = #tpu.dot_dimension_numbers<[1], [0], [0], [1], [0, 0, 1, 1], [], []>, transpose_lhs_hint = false} : vector<128x768xf32>, vector<768x768xf32>, vector<128x768xf32> -> vector<128x768xf32>
    %get3A_8 = arith.constant 0 : index
    %get3A_9 = arith.constant 0 : index
    %get3A_10 = arith.constant 0 : index
    %get3A_11 = vector.load %arg4[%get3A_8, %get3A_9, %get3A_10] : memref<1x1x768xf32, #tpu.memory_space<vmem>>, vector<1x1x768xf32>
    %get3A_12 = vector.shape_cast %get3A_11 : vector<1x1x768xf32> to vector<1x768xf32>
    %add3A = vector.broadcast %get3A_12 : vector<1x768xf32> to vector<128x768xf32>
    %add3A_13 = arith.addf %dot_general3A_7, %add3A : vector<128x768xf32>
    %max3A = arith.constant 0.000000e+00 : f32
    %max3A_14 = vector.broadcast %max3A : f32 to vector<128x768xf32>
    %max3A_15 = arith.maximumf %add3A_13, %max3A_14 : vector<128x768xf32>
    %swap3A = arith.constant 0 : index
    %swap3A_16 = arith.constant 0 : index
    %swap3A_17 = vector.load %arg5[%swap3A, %swap3A_16] : memref<128x768xf32, #tpu.memory_space<vmem>>, vector<128x768xf32>
    tpu.vector_store %arg5[%swap3A, %swap3A_16], %max3A_15 {strides = array<i32>} : memref<128x768xf32, #tpu.memory_space<vmem>>, vector<128x768xf32>,
    return
  }
  func.func @transform_0(%arg0: i32, %arg1: memref<64xi32, #tpu.memory_space<smem>>) -> (i32, i32) {
    %c0_i32 = arith.constant 0 : i32
    %c0_i32_0 = arith.constant 0 : i32
    return %arg0, %c0_i32 : i32, i32
  }
  func.func @transform_1(%arg0: i32, %arg1: memref<64xi32, #tpu.memory_space<smem>>) -> (i32, i32, i32) {
    %get3A = arith.index_cast %arg0 : i32 to index
    %get3A_0 = memref.load %arg1[%get3A] : memref<64xi32, #tpu.memory_space<smem>>
    %c0_i32 = arith.constant 0 : i32
    %c0_i32_1 = arith.constant 0 : i32
    %c0_i32_2 = arith.constant 0 : i32
    return %get3A_0, %c0_i32, %c0_i32_1 : i32, i32, i32
  }
  func.func @transform_2(%arg0: i32, %arg1: memref<64xi32, #tpu.memory_space<smem>>) -> (i32, i32, i32) {
    %get3A = arith.index_cast %arg0 : i32 to index
    %get3A_0 = memref.load %arg1[%get3A] : memref<64xi32, #tpu.memory_space<smem>>
    %c0_i32 = arith.constant 0 : i32
    %c0_i32_1 = arith.constant 0 : i32
    %c0_i32_2 = arith.constant 0 : i32
    return %get3A_0, %c0_i32, %c0_i32_1 : i32, i32, i32
  }
  func.func @transform_3(%arg0: i32, %arg1: memref<64xi32, #tpu.memory_space<smem>>) -> (i32, i32) {
    %c0_i32 = arith.constant 0 : i32
    %c0_i32_0 = arith.constant 0 : i32
    return %arg0, %c0_i32 : i32, i32
  }
}

module attributes {stable_mosaic.version = 14 : i64} {
  func.func @_route_kernel(%arg0: memref<2048x768xf32, #tpu.memory_space<vmem>>, %arg1: memref<8x768xf32, #tpu.memory_space<vmem>>, %arg2: memref<1x8xf32, #tpu.memory_space<vmem>>, %arg3: memref<2048x8xi32, #tpu.memory_space<vmem>>, %arg4: memref<1x64xi32, #tpu.memory_space<vmem>>) attributes {dimension_semantics = [], scalar_prefetch = 0 : i64, scratch_operands = 0 : i64, tpu.core_type = #tpu.core_type<tc>} {
    %get3A = arith.constant 0 : index
    %get3A_0 = arith.constant 0 : index
    %get3A_1 = vector.load %arg0[%get3A, %get3A_0] : memref<2048x768xf32, #tpu.memory_space<vmem>>, vector<2048x768xf32>
    %get3A_2 = arith.constant 0 : index
    %get3A_3 = arith.constant 0 : index
    %get3A_4 = vector.load %arg1[%get3A_2, %get3A_3] : memref<8x768xf32, #tpu.memory_space<vmem>>, vector<8x768xf32>
    %dot_general3A = arith.constant dense<0.000000e+00> : vector<2048x8xf32>
    %dot_general3A_5 = tpu.matmul %get3A_1, %get3A_4, %dot_general3A {dimension_numbers = #tpu.dot_dimension_numbers<[1], [1], [0], [0], [0, 0, 1, 0], [], []>, transpose_lhs_hint = false} : vector<2048x768xf32>, vector<8x768xf32>, vector<2048x8xf32> -> vector<2048x8xf32>
    %get3A_6 = arith.constant 0 : index
    %get3A_7 = arith.constant 0 : index
    %get3A_8 = vector.load %arg2[%get3A_6, %get3A_7] : memref<1x8xf32, #tpu.memory_space<vmem>>, vector<1x8xf32>
    %add3A = vector.broadcast %get3A_8 : vector<1x8xf32> to vector<2048x8xf32>
    %add3A_9 = arith.addf %dot_general3A_5, %add3A : vector<2048x8xf32>
    %iota3A = tpu.iota {dimensions = array<i32: 1>} : vector<2048x8xi32>
    %reduce_max3A = arith.constant dense<0xFF800000> : vector<2048xf32>
    %reduce_max3A_10 = vector.multi_reduction <maximumf>, %add3A_9, %reduce_max3A [1] : vector<2048x8xf32> to vector<2048xf32>
    %broadcast_in_dim3A = vector.shape_cast %reduce_max3A_10 : vector<2048xf32> to vector<2048x1xf32>
    %eq3A = vector.broadcast %broadcast_in_dim3A : vector<2048x1xf32> to vector<2048x8xf32>
    %eq3A_11 = arith.cmpf oeq, %add3A_9, %eq3A : vector<2048x8xf32>
    %jit3A = arith.constant 8 : i32
    %broadcast_in_dim3A_12 = vector.broadcast %jit3A : i32 to vector<2048x8xi32>
    %select_n3A = arith.select %eq3A_11, %iota3A, %broadcast_in_dim3A_12 : vector<2048x8xi1>, vector<2048x8xi32>
    %reduce_min3A = arith.constant dense<2147483647> : vector<2048xi32>
    %reduce_min3A_13 = vector.multi_reduction <minsi>, %select_n3A, %reduce_min3A [1] : vector<2048x8xi32> to vector<2048xi32>
    %broadcast_in_dim3A_14 = vector.shape_cast %reduce_min3A_13 : vector<2048xi32> to vector<2048x1xi32>
    %eq3A_15 = vector.broadcast %broadcast_in_dim3A_14 : vector<2048x1xi32> to vector<2048x8xi32>
    %eq3A_16 = arith.cmpi eq, %iota3A, %eq3A_15 : vector<2048x8xi32>
    %jit3A_17 = arith.constant 0xFF800000 : f32
    %broadcast_in_dim3A_18 = vector.broadcast %jit3A_17 : f32 to vector<2048x8xf32>
    %select_n3A_19 = arith.select %eq3A_16, %broadcast_in_dim3A_18, %add3A_9 : vector<2048x8xi1>, vector<2048x8xf32>
    %reduce_max3A_20 = arith.constant dense<0xFF800000> : vector<2048xf32>
    %reduce_max3A_21 = vector.multi_reduction <maximumf>, %select_n3A_19, %reduce_max3A_20 [1] : vector<2048x8xf32> to vector<2048xf32>
    %broadcast_in_dim3A_22 = vector.shape_cast %reduce_max3A_21 : vector<2048xf32> to vector<2048x1xf32>
    %eq3A_23 = vector.broadcast %broadcast_in_dim3A_22 : vector<2048x1xf32> to vector<2048x8xf32>
    %eq3A_24 = arith.cmpf oeq, %select_n3A_19, %eq3A_23 : vector<2048x8xf32>
    %jit3A_25 = arith.constant 8 : i32
    %broadcast_in_dim3A_26 = vector.broadcast %jit3A_25 : i32 to vector<2048x8xi32>
    %select_n3A_27 = arith.select %eq3A_24, %iota3A, %broadcast_in_dim3A_26 : vector<2048x8xi1>, vector<2048x8xi32>
    %reduce_min3A_28 = arith.constant dense<2147483647> : vector<2048xi32>
    %reduce_min3A_29 = vector.multi_reduction <minsi>, %select_n3A_27, %reduce_min3A_28 [1] : vector<2048x8xi32> to vector<2048xi32>
    %broadcast_in_dim3A_30 = vector.shape_cast %reduce_min3A_29 : vector<2048xi32> to vector<2048x1xi32>
    %eq3A_31 = vector.broadcast %broadcast_in_dim3A_14 : vector<2048x1xi32> to vector<2048x8xi32>
    %eq3A_32 = arith.cmpi eq, %iota3A, %eq3A_31 : vector<2048x8xi32>
    %eq3A_33 = vector.broadcast %broadcast_in_dim3A_30 : vector<2048x1xi32> to vector<2048x8xi32>
    %eq3A_34 = arith.cmpi eq, %iota3A, %eq3A_33 : vector<2048x8xi32>
    %or3A = arith.ori %eq3A_32, %eq3A_34 : vector<2048x8xi1>
    %convert_element_type3A = arith.extui %or3A : vector<2048x8xi1> to vector<2048x8xi32>
    %convert_element_type3A_35 = arith.sitofp %convert_element_type3A : vector<2048x8xi32> to vector<2048x8xf32>
    %broadcast_in_dim3A_36 = arith.constant 0.000000e+00 : f32
    %broadcast_in_dim3A_37 = vector.broadcast %broadcast_in_dim3A_36 : f32 to vector<1x8xf32>
    %slice3A = vector.extract_strided_slice %convert_element_type3A_35 {offsets = [0, 0], sizes = [2047, 8], strides = [1, 1]} : vector<2048x8xf32> to vector<2047x8xf32>
    %concatenate3A = tpu.concatenate %broadcast_in_dim3A_37, %slice3A in 0 : vector<1x8xf32>, vector<2047x8xf32> -> vector<2048x8xf32>
    %add3A_38 = arith.addf %convert_element_type3A_35, %concatenate3A : vector<2048x8xf32>
    %broadcast_in_dim3A_39 = arith.constant 0.000000e+00 : f32
    %broadcast_in_dim3A_40 = vector.broadcast %broadcast_in_dim3A_39 : f32 to vector<2x8xf32>
    %slice3A_41 = vector.extract_strided_slice %add3A_38 {offsets = [0, 0], sizes = [2046, 8], strides = [1, 1]} : vector<2048x8xf32> to vector<2046x8xf32>
    %concatenate3A_42 = tpu.concatenate %broadcast_in_dim3A_40, %slice3A_41 in 0 : vector<2x8xf32>, vector<2046x8xf32> -> vector<2048x8xf32>
    %add3A_43 = arith.addf %add3A_38, %concatenate3A_42 : vector<2048x8xf32>
    %broadcast_in_dim3A_44 = arith.constant 0.000000e+00 : f32
    %broadcast_in_dim3A_45 = vector.broadcast %broadcast_in_dim3A_44 : f32 to vector<4x8xf32>
    %slice3A_46 = vector.extract_strided_slice %add3A_43 {offsets = [0, 0], sizes = [2044, 8], strides = [1, 1]} : vector<2048x8xf32> to vector<2044x8xf32>
    %concatenate3A_47 = tpu.concatenate %broadcast_in_dim3A_45, %slice3A_46 in 0 : vector<4x8xf32>, vector<2044x8xf32> -> vector<2048x8xf32>
    %add3A_48 = arith.addf %add3A_43, %concatenate3A_47 : vector<2048x8xf32>
    %broadcast_in_dim3A_49 = arith.constant 0.000000e+00 : f32
    %broadcast_in_dim3A_50 = vector.broadcast %broadcast_in_dim3A_49 : f32 to vector<8x8xf32>
    %slice3A_51 = vector.extract_strided_slice %add3A_48 {offsets = [0, 0], sizes = [2040, 8], strides = [1, 1]} : vector<2048x8xf32> to vector<2040x8xf32>
    %concatenate3A_52 = tpu.concatenate %broadcast_in_dim3A_50, %slice3A_51 in 0 : vector<8x8xf32>, vector<2040x8xf32> -> vector<2048x8xf32>
    %add3A_53 = arith.addf %add3A_48, %concatenate3A_52 : vector<2048x8xf32>
    %broadcast_in_dim3A_54 = arith.constant 0.000000e+00 : f32
    %broadcast_in_dim3A_55 = vector.broadcast %broadcast_in_dim3A_54 : f32 to vector<16x8xf32>
    %slice3A_56 = vector.extract_strided_slice %add3A_53 {offsets = [0, 0], sizes = [2032, 8], strides = [1, 1]} : vector<2048x8xf32> to vector<2032x8xf32>
    %concatenate3A_57 = tpu.concatenate %broadcast_in_dim3A_55, %slice3A_56 in 0 : vector<16x8xf32>, vector<2032x8xf32> -> vector<2048x8xf32>
    %add3A_58 = arith.addf %add3A_53, %concatenate3A_57 : vector<2048x8xf32>
    %broadcast_in_dim3A_59 = arith.constant 0.000000e+00 : f32
    %broadcast_in_dim3A_60 = vector.broadcast %broadcast_in_dim3A_59 : f32 to vector<32x8xf32>
    %slice3A_61 = vector.extract_strided_slice %add3A_58 {offsets = [0, 0], sizes = [2016, 8], strides = [1, 1]} : vector<2048x8xf32> to vector<2016x8xf32>
    %concatenate3A_62 = tpu.concatenate %broadcast_in_dim3A_60, %slice3A_61 in 0 : vector<32x8xf32>, vector<2016x8xf32> -> vector<2048x8xf32>
    %add3A_63 = arith.addf %add3A_58, %concatenate3A_62 : vector<2048x8xf32>
    %broadcast_in_dim3A_64 = arith.constant 0.000000e+00 : f32
    %broadcast_in_dim3A_65 = vector.broadcast %broadcast_in_dim3A_64 : f32 to vector<64x8xf32>
    %slice3A_66 = vector.extract_strided_slice %add3A_63 {offsets = [0, 0], sizes = [1984, 8], strides = [1, 1]} : vector<2048x8xf32> to vector<1984x8xf32>
    %concatenate3A_67 = tpu.concatenate %broadcast_in_dim3A_65, %slice3A_66 in 0 : vector<64x8xf32>, vector<1984x8xf32> -> vector<2048x8xf32>
    %add3A_68 = arith.addf %add3A_63, %concatenate3A_67 : vector<2048x8xf32>
    %broadcast_in_dim3A_69 = arith.constant 0.000000e+00 : f32
    %broadcast_in_dim3A_70 = vector.broadcast %broadcast_in_dim3A_69 : f32 to vector<128x8xf32>
    %slice3A_71 = vector.extract_strided_slice %add3A_68 {offsets = [0, 0], sizes = [1920, 8], strides = [1, 1]} : vector<2048x8xf32> to vector<1920x8xf32>
    %concatenate3A_72 = tpu.concatenate %broadcast_in_dim3A_70, %slice3A_71 in 0 : vector<128x8xf32>, vector<1920x8xf32> -> vector<2048x8xf32>
    %add3A_73 = arith.addf %add3A_68, %concatenate3A_72 : vector<2048x8xf32>
    %broadcast_in_dim3A_74 = arith.constant 0.000000e+00 : f32
    %broadcast_in_dim3A_75 = vector.broadcast %broadcast_in_dim3A_74 : f32 to vector<256x8xf32>
    %slice3A_76 = vector.extract_strided_slice %add3A_73 {offsets = [0, 0], sizes = [1792, 8], strides = [1, 1]} : vector<2048x8xf32> to vector<1792x8xf32>
    %concatenate3A_77 = tpu.concatenate %broadcast_in_dim3A_75, %slice3A_76 in 0 : vector<256x8xf32>, vector<1792x8xf32> -> vector<2048x8xf32>
    %add3A_78 = arith.addf %add3A_73, %concatenate3A_77 : vector<2048x8xf32>
    %broadcast_in_dim3A_79 = arith.constant 0.000000e+00 : f32
    %broadcast_in_dim3A_80 = vector.broadcast %broadcast_in_dim3A_79 : f32 to vector<512x8xf32>
    %slice3A_81 = vector.extract_strided_slice %add3A_78 {offsets = [0, 0], sizes = [1536, 8], strides = [1, 1]} : vector<2048x8xf32> to vector<1536x8xf32>
    %concatenate3A_82 = tpu.concatenate %broadcast_in_dim3A_80, %slice3A_81 in 0 : vector<512x8xf32>, vector<1536x8xf32> -> vector<2048x8xf32>
    %add3A_83 = arith.addf %add3A_78, %concatenate3A_82 : vector<2048x8xf32>
    %broadcast_in_dim3A_84 = arith.constant 0.000000e+00 : f32
    %broadcast_in_dim3A_85 = vector.broadcast %broadcast_in_dim3A_84 : f32 to vector<1024x8xf32>
    %slice3A_86 = vector.extract_strided_slice %add3A_83 {offsets = [0, 0], sizes = [1024, 8], strides = [1, 1]} : vector<2048x8xf32> to vector<1024x8xf32>
    %concatenate3A_87 = tpu.concatenate %broadcast_in_dim3A_85, %slice3A_86 in 0 : vector<1024x8xf32>, vector<1024x8xf32> -> vector<2048x8xf32>
    %add3A_88 = arith.addf %add3A_83, %concatenate3A_87 : vector<2048x8xf32>
    %sub3A = arith.subf %add3A_88, %convert_element_type3A_35 : vector<2048x8xf32>
    %slice3A_89 = vector.extract_strided_slice %add3A_88 {offsets = [2047, 0], sizes = [1, 8], strides = [1, 1]} : vector<2048x8xf32> to vector<1x8xf32>
    %mul3A = arith.constant 7.812500e-03 : f32
    %mul3A_90 = vector.broadcast %mul3A : f32 to vector<1x8xf32>
    %mul3A_91 = arith.mulf %slice3A_89, %mul3A_90 : vector<1x8xf32>
    %ceil3A = math.ceil %mul3A_91 : vector<1x8xf32>
    %mul3A_92 = arith.constant 1.280000e+02 : f32
    %mul3A_93 = vector.broadcast %mul3A_92 : f32 to vector<1x8xf32>
    %mul3A_94 = arith.mulf %ceil3A, %mul3A_93 : vector<1x8xf32>
    %broadcast_in_dim3A_95 = arith.constant 0.000000e+00 : f32
    %broadcast_in_dim3A_96 = vector.broadcast %broadcast_in_dim3A_95 : f32 to vector<1x1xf32>
    %slice3A_97 = vector.extract_strided_slice %mul3A_94 {offsets = [0, 0], sizes = [1, 7], strides = [1, 1]} : vector<1x8xf32> to vector<1x7xf32>
    %concatenate3A_98 = tpu.concatenate %broadcast_in_dim3A_96, %slice3A_97 in 1 : vector<1x1xf32>, vector<1x7xf32> -> vector<1x8xf32>
    %add3A_99 = arith.addf %mul3A_94, %concatenate3A_98 : vector<1x8xf32>
    %broadcast_in_dim3A_100 = arith.constant 0.000000e+00 : f32
    %broadcast_in_dim3A_101 = vector.broadcast %broadcast_in_dim3A_100 : f32 to vector<1x2xf32>
    %slice3A_102 = vector.extract_strided_slice %add3A_99 {offsets = [0, 0], sizes = [1, 6], strides = [1, 1]} : vector<1x8xf32> to vector<1x6xf32>
    %concatenate3A_103 = tpu.concatenate %broadcast_in_dim3A_101, %slice3A_102 in 1 : vector<1x2xf32>, vector<1x6xf32> -> vector<1x8xf32>
    %add3A_104 = arith.addf %add3A_99, %concatenate3A_103 : vector<1x8xf32>
    %broadcast_in_dim3A_105 = arith.constant 0.000000e+00 : f32
    %broadcast_in_dim3A_106 = vector.broadcast %broadcast_in_dim3A_105 : f32 to vector<1x4xf32>
    %slice3A_107 = vector.extract_strided_slice %add3A_104 {offsets = [0, 0], sizes = [1, 4], strides = [1, 1]} : vector<1x8xf32> to vector<1x4xf32>
    %concatenate3A_108 = tpu.concatenate %broadcast_in_dim3A_106, %slice3A_107 in 1 : vector<1x4xf32>, vector<1x4xf32> -> vector<1x8xf32>
    %add3A_109 = arith.addf %add3A_104, %concatenate3A_108 : vector<1x8xf32>
    %sub3A_110 = arith.subf %add3A_109, %mul3A_94 : vector<1x8xf32>
    %add3A_111 = vector.broadcast %sub3A_110 : vector<1x8xf32> to vector<2048x8xf32>
    %add3A_112 = arith.addf %add3A_111, %sub3A : vector<2048x8xf32>
    %eq3A_113 = vector.broadcast %broadcast_in_dim3A_14 : vector<2048x1xi32> to vector<2048x8xi32>
    %eq3A_114 = arith.cmpi eq, %iota3A, %eq3A_113 : vector<2048x8xi32>
    %jit3A_115 = arith.constant 0.000000e+00 : f32
    %broadcast_in_dim3A_116 = vector.broadcast %jit3A_115 : f32 to vector<2048x8xf32>
    %select_n3A_117 = arith.select %eq3A_114, %add3A_112, %broadcast_in_dim3A_116 : vector<2048x8xi1>, vector<2048x8xf32>
    %reduce_sum3A = arith.constant dense<0.000000e+00> : vector<2048xf32>
    %reduce_sum3A_118 = vector.multi_reduction <add>, %select_n3A_117, %reduce_sum3A [1] : vector<2048x8xf32> to vector<2048xf32>
    %broadcast_in_dim3A_119 = vector.shape_cast %reduce_sum3A_118 : vector<2048xf32> to vector<2048x1xf32>
    %eq3A_120 = vector.broadcast %broadcast_in_dim3A_30 : vector<2048x1xi32> to vector<2048x8xi32>
    %eq3A_121 = arith.cmpi eq, %iota3A, %eq3A_120 : vector<2048x8xi32>
    %jit3A_122 = arith.constant 0.000000e+00 : f32
    %broadcast_in_dim3A_123 = vector.broadcast %jit3A_122 : f32 to vector<2048x8xf32>
    %select_n3A_124 = arith.select %eq3A_121, %add3A_112, %broadcast_in_dim3A_123 : vector<2048x8xi1>, vector<2048x8xf32>
    %reduce_sum3A_125 = arith.constant dense<0.000000e+00> : vector<2048xf32>
    %reduce_sum3A_126 = vector.multi_reduction <add>, %select_n3A_124, %reduce_sum3A_125 [1] : vector<2048x8xf32> to vector<2048xf32>
    %broadcast_in_dim3A_127 = vector.shape_cast %reduce_sum3A_126 : vector<2048xf32> to vector<2048x1xf32>
    %eq3A_128 = arith.constant 0 : i32
    %eq3A_129 = vector.broadcast %eq3A_128 : i32 to vector<2048x8xi32>
    %eq3A_130 = arith.cmpi eq, %iota3A, %eq3A_129 : vector<2048x8xi32>
    %eq3A_131 = arith.constant 1 : i32
    %eq3A_132 = vector.broadcast %eq3A_131 : i32 to vector<2048x8xi32>
    %eq3A_133 = arith.cmpi eq, %iota3A, %eq3A_132 : vector<2048x8xi32>
    %jit3A_134 = arith.constant 0.000000e+00 : f32
    %broadcast_in_dim3A_135 = vector.shape_cast %broadcast_in_dim3A_127 : vector<2048x1xf32> to vector<2048x1xf32>
    %broadcast_in_dim3A_136 = vector.broadcast %broadcast_in_dim3A_135 : vector<2048x1xf32> to vector<2048x8xf32>
    %broadcast_in_dim3A_137 = vector.broadcast %jit3A_134 : f32 to vector<2048x8xf32>
    %select_n3A_138 = arith.select %eq3A_133, %broadcast_in_dim3A_136, %broadcast_in_dim3A_137 : vector<2048x8xi1>, vector<2048x8xf32>
    %broadcast_in_dim3A_139 = vector.shape_cast %broadcast_in_dim3A_119 : vector<2048x1xf32> to vector<2048x1xf32>
    %broadcast_in_dim3A_140 = vector.broadcast %broadcast_in_dim3A_139 : vector<2048x1xf32> to vector<2048x8xf32>
    %select_n3A_141 = arith.select %eq3A_130, %broadcast_in_dim3A_140, %select_n3A_138 : vector<2048x8xi1>, vector<2048x8xf32>
    %convert_element_type3A_142 = arith.fptosi %select_n3A_141 : vector<2048x8xf32> to vector<2048x8xi32>
    %swap3A = arith.constant 0 : index
    %swap3A_143 = arith.constant 0 : index
    %swap3A_144 = vector.load %arg3[%swap3A, %swap3A_143] : memref<2048x8xi32, #tpu.memory_space<vmem>>, vector<2048x8xi32>
    tpu.vector_store %arg3[%swap3A, %swap3A_143], %convert_element_type3A_142 {strides = array<i32>} : memref<2048x8xi32, #tpu.memory_space<vmem>>, vector<2048x8xi32>,
    %iota3A_145 = tpu.iota {dimensions = array<i32: 1>} : vector<8x64xi32>
    %convert_element_type3A_146 = arith.sitofp %iota3A_145 : vector<8x64xi32> to vector<8x64xf32>
    %mul3A_147 = arith.constant 1.280000e+02 : f32
    %mul3A_148 = vector.broadcast %mul3A_147 : f32 to vector<8x64xf32>
    %mul3A_149 = arith.mulf %convert_element_type3A_146, %mul3A_148 : vector<8x64xf32>
    %reshape3A = vector.shape_cast %sub3A_110 : vector<1x8xf32> to vector<8x1xf32>
    %broadcast_in_dim3A_150 = vector.shape_cast %reshape3A : vector<8x1xf32> to vector<8x1xf32>
    %broadcast_in_dim3A_151 = vector.broadcast %broadcast_in_dim3A_150 : vector<8x1xf32> to vector<8x64xf32>
    %ge3A = arith.cmpf oge, %mul3A_149, %broadcast_in_dim3A_151 : vector<8x64xf32>
    %convert_element_type3A_152 = arith.extui %ge3A : vector<8x64xi1> to vector<8x64xi32>
    %convert_element_type3A_153 = arith.sitofp %convert_element_type3A_152 : vector<8x64xi32> to vector<8x64xf32>
    %reduce_sum3A_154 = arith.constant dense<0.000000e+00> : vector<64xf32>
    %reduce_sum3A_155 = vector.multi_reduction <add>, %convert_element_type3A_153, %reduce_sum3A_154 [0] : vector<8x64xf32> to vector<64xf32>
    %broadcast_in_dim3A_156 = vector.shape_cast %reduce_sum3A_155 : vector<64xf32> to vector<1x64xf32>
    %sub3A_157 = arith.constant 1.000000e+00 : f32
    %sub3A_158 = vector.broadcast %sub3A_157 : f32 to vector<1x64xf32>
    %sub3A_159 = arith.subf %broadcast_in_dim3A_156, %sub3A_158 : vector<1x64xf32>
    %jit3A_160 = arith.constant 0.000000e+00 : f32
    %jit3A_161 = arith.constant 7.000000e+00 : f32
    %max3A = vector.broadcast %jit3A_160 : f32 to vector<1x64xf32>
    %max3A_162 = arith.maximumf %max3A, %sub3A_159 : vector<1x64xf32>
    %min3A = vector.broadcast %jit3A_161 : f32 to vector<1x64xf32>
    %min3A_163 = arith.minimumf %min3A, %max3A_162 : vector<1x64xf32>
    %convert_element_type3A_164 = arith.fptosi %min3A_163 : vector<1x64xf32> to vector<1x64xi32>
    %swap3A_165 = arith.constant 0 : index
    %swap3A_166 = arith.constant 0 : index
    %swap3A_167 = vector.load %arg4[%swap3A_165, %swap3A_166] : memref<1x64xi32, #tpu.memory_space<vmem>>, vector<1x64xi32>
    tpu.vector_store %arg4[%swap3A_165, %swap3A_166], %convert_element_type3A_164 {strides = array<i32>} : memref<1x64xi32, #tpu.memory_space<vmem>>, vector<1x64xi32>,
    return
  }
}

</mosaic_0001>

<sc_bundles>
// kernel: kernel.6.cloned.1.call-start
scs
__scs_entry_jumppad:
0x0: {  	(pc) =	sbr.rel $0x88, $3  }
0x1: {  	(tag) =	ssettag $0x0;
	lr =	simm.s32 $0x1  }
0x2: {  	[smem:$0x3F9C] =	sst lr;
	_ =	strace $0xD0000000  }
0x3: {  	_ = 	snop  }
0x4: {  	_ = 	snop  }
0x5: {  	_ = 	snop  }
0x6: {  	_ = 	snop  }
0x7: {  	_ = 	snop  }
__scs_overlays_trampoline_lowered:
0x8: {  	[smem:$0x3FAB] =	sst s0  }
0x9: {  	[smem:$0x3FAC] =	sst s1  }
0xa: {  	[smem:$0x3FAD] =	sst s2  }
0xb: {  	[smem:$0x3FAE] =	sst s3  }
0xc: {  	[smem:$0x3FAF] =	sst s4  }
0xd: {  	[smem:$0x3FB0] =	sst s5  }
0xe: {  	[smem:$0x3FB1] =	sst s6  }
0xf: {  	[smem:$0x3FB2] =	sst s7  }
0x10: {  	[smem:$0x3FB3] =	sst s8  }
0x11: {  	[smem:$0x3FB4] =	sst s9;
	s0 =	simm.s32 @!p0 $0x0  }
0x12: {  	s1 =	sld [smem:$0x3F9A];
	s0 =	simm.s32 @p0 $0x1  }
0x13: {  	[smem:$0x3FB5] =	sst s0;
	s0 =	simm.s32 @!p1 $0x0  }
0x14: {  	s2 =	sld [smem:$0x3F99];
	s0 =	simm.s32 @p1 $0x1  }
0x15: {  	[smem:$0x3FB6] =	sst s0;
	s0 =	simm.s32 @!p2 $0x0  }
0x16: {  	s3 =	sld [smem:$0x3FDB];
	s0 =	simm.s32 @p2 $0x1  }
0x17: {  	s4 =	simm.s32 $0x1BF5;
	[smem:$0x3FB8] =	sst s0  }
0x18: {  	s0 =	sld [smem:$0x3F9B];
	_ =	swait.ge [sflag:s4], $0x0  }
0x19: {  	s7 =	sld [smem:$0x3F9C]  }
0x1a: {  	s8 =	sadd.s32 $0xFFFFE003, lr  }
0x1b: {  	s9 =	sadd.s32 $0xFFFFFEF7, lr;
	s5 =	simm.s32 $0xFFFFFFFF;
	p2 =	slt.u32 s8, $0xFFFFF086  }
0x1c: {  	p1 =	slt.u32 s9, $0xF7A;
	s5 =	simm.s32 @!p2 $0x0  }
0x1d: {  	s5 =	simm.s32 @p1 $0x1;
	p0 =	seq.s32 s7, s2  }
0x1e: {  	s7 =	smul.u32 @!p0 $0xF7A, s2;
	p2 =	seq.s32 @!p0 s5, $0x0  }
0x1f: {  	s9 =	smul.u32 $0xF7A, s1;
	s8 =	simm.s32 @!p0 $0x1BF5;
	p2 =	por !p2, p0  }
0x20: {  	[sflag:s8] =	ssyncset.s32 @!p0 $0xFFFFF086;
	s6 =	sadd.s32 @!p0 s3, s7;
	s7 =	simm.s32 @!p0 $0x108  }
0x21: {  	s3 =	sadd.s32 s3, s9;
	s6 =	sadd.s32 @!p0 $0x88, s6;
	s7 =	simm.s32 @p2 $0x1082  }
0x22: {  	[simem:s7], [sflag:s8] =	dma.local @!p0 [hbm:s6], $0xF7A  }
0x23: {  	s9 =	sor.u32 $0xD0000000, s2;
	s6 =	simm.s32 $0x108;
	_ =	swait.ge @!p0 [sflag:s8], $0x0  }
0x24: {  	s3 =	sadd.s32 $0x88, s3;
	s6 =	simm.s32 @!p1 $0x1082;
	[sflag:s4] =	ssyncset.s32 $0xFFFFF086  }
0x25: {  	[simem:s6], [sflag:s4] =	dma.local [hbm:s3], $0xF7A  }
0x26: {  	[smem:$0x3F9C] =	sst s1;
	(tag) =	ssettag s2;
	_ =	strace s9  }
0x27: {  	s1 =	sld [smem:$0x3FAC]  }
0x28: {  	s2 =	sld [smem:$0x3FAD]  }
0x29: {  	s4 =	sld [smem:$0x3FAF]  }
0x2a: {  	p0 =	seq.s32 s5, $0x0;
	s5 =	sld [smem:$0x3FB0]  }
0x2b: {  	s6 =	sld [smem:$0x3FB1]  }
0x2c: {  	s7 =	sld [smem:$0x3FB2]  }
0x2d: {  	s3 =	simm.s32 $0x108;
	s8 =	sld [smem:$0x3FB3]  }
0x2e: {  	s3 =	simm.s32 @!p0 $0x1082;
	s9 =	sld [smem:$0x3FB4]  }
0x2f: {  	lr =	sadd.s32 s0, s3;
	s0 =	sld [smem:$0x3FAB]  }
0x30: {  	s3 =	sld [smem:$0x3FAE]  }
0x31: {  	[smem:$0x3FB7] =	sst s10  }
0x32: {  	s10 =	sld [smem:$0x3FB5];
	_ =	sdelay $0x3  }
0x33: {  	p0 =	seq.s32 s10, $0x1;
	s10 =	sld [smem:$0x3FB7];
	_ =	sdelay $0x3  }
0x34: {  	[smem:$0x3FB7] =	sst s10  }
0x35: {  	s10 =	sld [smem:$0x3FB6];
	_ =	sdelay $0x3  }
0x36: {  	p1 =	seq.s32 s10, $0x1;
	s10 =	sld [smem:$0x3FB7];
	_ =	sdelay $0x3  }
0x37: {  	[smem:$0x3FB7] =	sst s10  }
0x38: {  	s10 =	sld [smem:$0x3FB8]  }
0x39: {  	_ = 	snop;
	(pc) =	sbr.ind lr, $3  }
0x3a: {  	_ = 	snop  }
0x3b: {  	_ = 	snop  }
0x3c: {  	p2 =	seq.s32 s10, $0x1;
	s10 =	sld [smem:$0x3FB7]  }
0x3d: {  	_ =	shalt  }
0x3e: {  	_ =	shalt  }
0x3f: {  	_ =	shalt  }
0x40: {  	_ =	shalt  }
0x41: {  	_ =	shalt  }
0x42: {  	_ =	shalt  }
0x43: {  	_ =	shalt  }
0x44: {  	_ =	shalt  }
0x45: {  	_ =	shalt  }
0x46: {  	_ =	shalt  }
0x47: {  	_ =	shalt  }
0x48: {  	_ =	shalt  }
0x49: {  	_ =	shalt  }
0x4a: {  	_ =	shalt  }
0x4b: {  	_ =	shalt  }
0x4c: {  	_ =	shalt  }
0x4d: {  	_ =	shalt  }
0x4e: {  	_ =	shalt  }
0x4f: {  	_ =	shalt  }
0x50: {  	_ =	shalt  }
0x51: {  	_ =	shalt  }
0x52: {  	_ =	shalt  }
0x53: {  	_ =	shalt  }
0x54: {  	_ =	shalt  }
0x55: {  	_ =	shalt  }
0x56: {  	_ =	shalt  }
0x57: {  	_ =	shalt  }
0x58: {  	_ =	shalt  }
0x59: {  	_ =	shalt  }
0x5a: {  	_ =	shalt  }
0x5b: {  	_ =	shalt  }
0x5c: {  	_ =	shalt  }
0x5d: {  	_ =	shalt  }
0x5e: {  	_ =	shalt  }
0x5f: {  	_ =	shalt  }
0x60: {  	_ =	shalt  }
0x61: {  	_ =	shalt  }
0x62: {  	_ =	shalt  }
0x63: {  	_ =	shalt  }
0x64: {  	_ =	shalt  }
0x65: {  	_ =	shalt  }
0x66: {  	_ =	shalt  }
0x67: {  	_ =	shalt  }
0x68: {  	_ =	shalt  }
0x69: {  	_ =	shalt  }
0x6a: {  	_ =	shalt  }
0x6b: {  	_ =	shalt  }
0x6c: {  	_ =	shalt  }
0x6d: {  	_ =	shalt  }
0x6e: {  	_ =	shalt  }
0x6f: {  	_ =	shalt  }
0x70: {  	_ =	shalt  }
0x71: {  	_ =	shalt  }
0x72: {  	_ =	shalt  }
0x73: {  	_ =	shalt  }
0x74: {  	_ =	shalt  }
0x75: {  	_ =	shalt  }
0x76: {  	_ =	shalt  }
0x77: {  	_ =	shalt  }
0x78: {  	_ =	shalt  }
0x79: {  	_ =	shalt  }
0x7a: {  	_ =	shalt  }
0x7b: {  	_ =	shalt  }
0x7c: {  	_ =	shalt  }
0x7d: {  	_ =	shalt  }
0x7e: {  	_ =	shalt  }
0x7f: {  	_ =	shalt  }
0x80: {  	_ =	shalt  }
0x81: {  	_ =	shalt  }
0x82: {  	_ =	shalt  }
0x83: {  	_ =	shalt  }
0x84: {  	_ =	shalt  }
0x85: {  	_ =	shalt  }
0x86: {  	_ =	shalt  }
0x87: {  	_ =	shalt  }
.Lfunc_end0:
.L_simem_size_0:
called_computation_lowered:
.L_overlay_start_0:
0x88: {  	s2 =	sld [smem:$0x3FD9]  }
0x89: {  	s3 =	sld [smem:$0x3FFE];
	_ =	sdelay $0x1  }
0x8a: {  	s1 =	srdreg.scid  }
0x8b: {  	s0 =	sand.u32 $0x1, s1  }
0x8c: {  	s17 =	sshll.u32 s0, $0xA;
	s2 =	sadd.s32 s3, s2  }
0x8d: {  	s2 =	sadd.s32 s2, s17  }
0x8e: {  	[smem:$0x3FC3] =	sst s2  }
0x8f: {  	_ = 	snop  }
0x90: {  	s2 =	sld [smem:$0x3FC9];
	(tm) =	ssettm $0x1  }
0x91: {  	s18 =	sld [smem:$0x3FFB];
	_ =	sdelay $0x3  }
0x92: {  	_ =	strace s18  }
0x93: {  	s3 =	sld [smem:$0x3FFC];
	_ =	sdelay $0x3  }
0x94: {  	_ =	strace s3  }
0x95: {  	s3 =	sld [smem:$0x3FFD];
	_ =	sdelay $0x3  }
0x96: {  	_ =	strace s3  }
0x97: {  	_ =	strace $0x8FFFFFFF  }
0x98: {  	s19 =	sld [smem:$0x3FDB];
	_ =	sdelay $0x1  }
0x99: {  	s4 =	simm.s32 $_scs_section_size  }
0x9a: {  	s5 =	simm.s32 $_size__tile_overlayer_lowered;
	s6 =	simm.s32 $_tile_overlayer_lowered  }
0x9b: {  	s22 =	simm.s32 $0x1BFF;
	s21 =	sshll.u32 s6, $0x1;
	s3 =	sadd.s32 s4, s19  }
0x9c: {  	s7 =	simm.s32 $0x0;
	s20 =	sshll.u32 s5, $0x1;
	s5 =	sadd.s32 s21, s3  }
0x9d: {  	[timem:s7], [sflag:s22] =	dma.local [hbm:s5], s20  }
0x9e: {  	_ =	swait.ge [sflag:s22], s20  }
0x9f: {  	s4 =	ssub.s32 $0x0, s20;
	[sflag:s22] =	ssyncset.done $0x0  }
0xa0: {  	[sflag:s22] =	ssyncadd.s32 s4;
	_ =	sdelay $0x1  }
0xa1: {  	s23 =	simm.s32 $0x1B8B  }
0xa2: {  	_ =	swait.ge [sflag:s23], $0x1  }
0xa3: {  	[sflag:s23] =	ssyncset.done $0x0  }
0xa4: {  	s25 =	simm.s32 $0x1B8E;
	s24 =	sld [smem:$0x3FFE];
	[sflag:s23] =	ssyncadd.s32 $0xFFFFFFFF  }
0xa5: {  	s26 =	simm.s32 $execute0_lowered;
	[smem:$0x3FD2] =	sst s25  }
0xa6: {  	s5 =	sshll.u32 s26, $0x1;
	_ =	strace $0x80000046;
	[dreg:$0x1] =	wrdreg $0xFFFFFFFF  }
0xa7: {  	s28 =	simm.s32 $_size_execute0_lowered;
	s3 =	sadd.s32 s3, s5;
	[dreg:$0x0] =	wrdreg $0x0  }
0xa8: {  	s5 =	sshll.u32 s28, $0x1;
	[dreg:$0x2] =	wrdreg s3  }
0xa9: {  	[dreg:$0x3] =	wrdreg s5  }
0xaa: {  	[dreg:$0x4] =	wrdreg $0xC0  }
0xab: {  	_ =	task [dreg:s7], $0x5FFFF  }
0xac: {  	[dreg:$0x1] =	wrdreg $0xFFFFFFFF  }
0xad: {  	[dreg:$0x0] =	wrdreg $0x60  }
0xae: {  	[dreg:$0x2] =	wrdreg s2  }
0xaf: {  	[dreg:$0x3] =	wrdreg s24  }
0xb0: {  	[dreg:$0x4] =	wrdreg $0x9  }
0xb1: {  	_ =	task.clear_ibuf [dreg:s7], $0x5FFFF;
	_ =	strace $0x90000046  }
0xb2: {  	s29 =	simm.s32 $0x9;
	_ =	strace $0x80000048  }
0xb3: {  	_ =	swait.ge [sflag:s29], $0x1  }
0xb4: {  	[sflag:s29] =	ssyncadd.s32 $0xFFFFFFFF  }
0xb5: {  	_ =	strace $0x90000048  }
0xb6: {  	_ =	sfence  }
0xb7: {  	s30 =	sld [smem:$0x0];
	_ =	sdelay $0x2  }
0xb8: {  	s31 =	sshll.u32 s1, $0xD;
	s1 =	sshrl.u32 s1, $0x2  }
0xb9: {  	s3 =	sand.u32 $0x4000, s31;
	s1 =	sadd.s32 s1, s30  }
0xba: {  	s0 =	sor.u32 s3, s0;
	s1 =	sshll.u32 s1, $0x11  }
0xbb: {  	s0 =	sor.u32 s1, s0  }
0xbc: {  	s0 =	sadd.s32 $0x8F2B, s0  }
0xbd: {  	[sflag:s0] =	ssyncadd.remote.s32 $0x1  }
0xbe: {  	_ =	sfence.sel $0xFFFF  }
0xbf: {  	[dreg:$0x0] =	wrdreg $0xFFFFFFFF;
	(pc) =	sbr.abs _section_cstart, $3  }
0xc0: {  	[dreg:$0x1] =	wrdreg $0xFFFFFFFF  }
0xc1: {  	_ =	task.clear_ibuf [dreg:s7], $0x2FFFF;
	_ =	strace $0x9FFFFFFF  }
0xc2: {  	(tm) =	ssettm $0x7FFFFFFF  }
0xc3: {  	_ =	shalt  }
tec
execute0_lowered:
.L_overlay_start_1:
0x0: {  	(tag) =	ssettag $0x1  }
0x1: {  	s0 =	srdreg.scid  }
0x2: {  	s1 =	rddreg [dreg:$0x0];
	s2 =	stileid.u32  }
0x3: {  	s5 =	rddreg [dreg:$0x1];
	s26 =	simm.s32 $0x80;
	s11 =	simm.s32 $0x1900  }
0x4: {  	s12 =	simm.s32 $0x2100;
	s13 =	simm.s32 $0x2900;
	s14 =	simm.s32 $0x3100  }
0x5: {  	s15 =	simm.s32 $0x3900;
	s16 =	simm.s32 $0x4100;
	s17 =	simm.s32 $0x4900  }
0x6: {  	s18 =	simm.s32 $0x5100;
	s19 =	simm.s32 $0x5900;
	s20 =	simm.s32 $0x6100  }
0x7: {  	s21 =	simm.s32 $0x6900;
	s22 =	simm.s32 $0x7100;
	s23 =	simm.s32 $0x7900  }
0x8: {  	s28 =	simm.s32 $0x9900;
	s29 =	simm.s32 $0xA100;
	s30 =	simm.s32 $0xA900  }
0x9: {  	s31 =	simm.s32 $0xB100;
	s0 =	sand.u32 $0x1, s0;
	s3 =	sshll.u32 s2, $0x7  }
0xa: {  	s2 =	simm.s32 $0x0;
	s8 =	sadd.s32 $0x1400, s5;
	s4 =	sshll.u32 s0, $0x6  }
0xb: {  	[smem:$0x7FF] =	sst s2;
	s0 =	ssub.s32 $0x2, s0;
	s6 =	sor.u32 s4, s3  }
0xc: {  	_ =	strace $0x80000047;
	s3 =	sadd.s32 $0x1600, s5;
	s25 =	sshrl.u32 s0, $0x1  }
0xd: {  	[dreg:$0x6] =	wrdreg s26;
	s26 =	simm.s32 $0x9100;
	s7 =	sshll.u32 s6, $0x1  }
0xe: {  	s6 =	sshrl.u32 s6, $0x3;
	s0 =	ssub.s32 s0, s25;
	s9 =	sand.u32 $0xF00, s7  }
0xf: {  	s6 =	smul.u32 $0x300, s6;
	s9 =	sor.u32 s4, s9;
	s4 =	sor.u32 s4, s7  }
0x10: {  	s25 =	simm.s32 $0x8900;
	s24 =	sshrl.u32 s9, $0x3;
	s4 =	sshrl.u32 s4, $0x3  }
0x11: {  	s1 =	sadd.s32 s1, s6;
	s6 =	smax.u32 s0, $0x1;
	s0 =	simm.s32 $0x1  }
0x12: {  	s7 =	sadd.s32 s8, s24;
	s4 =	sor.u32 $0x10, s4;
	[dreg:$0x5] =	wrdreg s1  }
0x13: {  	v2 =	vlaneseq.u32;
	s24 =	simm.s32 $0x8100;
	s1 =	simm.s32 $0xB900;
	[dreg:$0x3] =	wrdreg s7  }
0x14: {  	vm0 =	vmmov $0xffff;
	v1 =	vshrl.u32 v2, $0x3;
	s4 =	sadd.s32 s8, s4;
	s7 =	simm.s32 $0x2;
	s8 =	simm.s32 $0x100  }
0x15: {  	v0 =	vand.u32 $0x7, v2;
	v2 =	vor.u32 $0x8, v2;
	v1 =	vmul.u32 $0x8, v1;
	[dreg:$0x4] =	wrdreg s4;
	s4 =	sadd.s32 $0x1700, s5;
	s5 =	sadd.s32 $0x1800, s5  }
.LBB2_1:
0x16: {  	s9 =	rddreg [dreg:$0x3]  }
0x17: {  	[tilespmem:s2], [sflag:$0x2] =	stream.linear.gather [hbm4b:s9+s2], $0x40, $0x38;
	[tilespmem:$0xC100] =	vst v63  }
0x18: {  	_ =	swait.ge [sflag:s7], $0x40  }
0x19: {  	s9 =	rddreg [dreg:$0x4];
	[sflag:s7] =	ssyncset.done $0x0  }
0x1a: {  	s10 =	rddreg [dreg:$0x6];
	[sflag:s7] =	ssyncadd.s32 $0xFFFFFFC0  }
0x1b: {  	[tilespmem:s10], [sflag:$0x2] =	stream.linear.gather [hbm4b:s9+s2], $0x40, $0x38;
	[tilespmem:$0xC100] =	vst v63  }
0x1c: {  	_ =	swait.ge [sflag:s7], $0x40  }
0x1d: {  	[sflag:s7] =	ssyncset.done $0x0  }
0x1e: {  	s10 =	rddreg [dreg:$0x5];
	[sflag:s7] =	ssyncadd.s32 $0xFFFFFFC0  }
0x1f: {  	[tilespmem:s8], [sflag:$0x2] =	stream.linear.gather [hbm4b:s10+s2], $0xC000, $0x38;
	[tilespmem:$0xC100] =	vst v63  }
0x20: {  	_ =	swait.ge [sflag:s7], $0xC000  }
0x21: {  	[sflag:s7] =	ssyncset.done $0x0  }
0x22: {  	[sflag:s7] =	ssyncadd.s32 $0xFFFF4000  }
0x23: {  	v3 =	vld [tilespmem:$0x0];
	_ =	sdelay $0x4  }
0x24: {  	v4 =	vshrl.u32 v3, $0x3  }
0x25: {  	v4 =	vmul.u32 $0x30, v4  }
0x26: {  	v3 =	vand.u32 $0x7, v3  }
0x27: {  	v3 =	vor.u32 v3, v4  }
0x28: {  	v4 =	vperm.xlane v3, v0;
	_ =	sdelay $0x1  }
0x29: {  	v4 =	vadd.s32 v1, v4;
	_ =	sdelay $0x3  }
0x2a: {  	v3 =	vperm.xlane v3, v2  }
0x2b: {  	[hbm4b:s3+s2] =	stream.indirect_vreg.scatter [tilespmem:s8], [sflag:$0x1], $0x80, v4, vm0, $0xb8;
	[tilespmem:$0xC100] =	vst v63  }
0x2c: {  	s9 =	simm.s32 $0x900;
	v3 =	vadd.s32 v1, v3  }
0x2d: {  	[hbm4b:s4+s2] =	stream.indirect_vreg.scatter [tilespmem:s9], [sflag:$0x1], $0x80, v4, vm0, $0xb8;
	[tilespmem:$0xC100] =	vst v63  }
0x2e: {  	s10 =	simm.s32 $0x1100  }
0x2f: {  	[hbm4b:s5+s2] =	stream.indirect_vreg.scatter [tilespmem:s10], [sflag:$0x1], $0x80, v4, vm0, $0xb8;
	[tilespmem:$0xC100] =	vst v63  }
0x30: {  	_ = 	snop  }
0x31: {  	[hbm4b:s3+s2] =	stream.indirect_vreg.scatter [tilespmem:s11], [sflag:$0x1], $0x80, v3, vm0, $0xb8;
	[tilespmem:$0xC100] =	vst v63  }
0x32: {  	_ = 	snop  }
0x33: {  	[hbm4b:s4+s2] =	stream.indirect_vreg.scatter [tilespmem:s12], [sflag:$0x1], $0x80, v3, vm0, $0xb8;
	[tilespmem:$0xC100] =	vst v63  }
0x34: {  	_ = 	snop  }
0x35: {  	[hbm4b:s5+s2] =	stream.indirect_vreg.scatter [tilespmem:s13], [sflag:$0x1], $0x80, v3, vm0, $0xb8;
	[tilespmem:$0xC100] =	vst v63  }
0x36: {  	v3 =	vld [tilespmem:$0x10];
	_ =	sdelay $0x4  }
0x37: {  	v57 =	vshrl.u32 v3, $0x3  }
0x38: {  	v4 =	vmul.u32 $0x30, v57  }
0x39: {  	v3 =	vand.u32 $0x7, v3  }
0x3a: {  	v3 =	vor.u32 v3, v4  }
0x3b: {  	v4 =	vperm.xlane v3, v0;
	_ =	sdelay $0x1  }
0x3c: {  	v4 =	vadd.s32 v1, v4;
	_ =	sdelay $0x3  }
0x3d: {  	v3 =	vperm.xlane v3, v2  }
0x3e: {  	[hbm4b:s3+s2] =	stream.indirect_vreg.scatter [tilespmem:s14], [sflag:$0x1], $0x80, v4, vm0, $0xb8;
	[tilespmem:$0xC100] =	vst v63  }
0x3f: {  	v3 =	vadd.s32 v1, v3  }
0x40: {  	[hbm4b:s4+s2] =	stream.indirect_vreg.scatter [tilespmem:s15], [sflag:$0x1], $0x80, v4, vm0, $0xb8;
	[tilespmem:$0xC100] =	vst v63  }
0x41: {  	_ = 	snop  }
0x42: {  	[hbm4b:s5+s2] =	stream.indirect_vreg.scatter [tilespmem:s16], [sflag:$0x1], $0x80, v4, vm0, $0xb8;
	[tilespmem:$0xC100] =	vst v63  }
0x43: {  	_ = 	snop  }
0x44: {  	[hbm4b:s3+s2] =	stream.indirect_vreg.scatter [tilespmem:s17], [sflag:$0x1], $0x80, v3, vm0, $0xb8;
	[tilespmem:$0xC100] =	vst v63  }
0x45: {  	_ = 	snop  }
0x46: {  	[hbm4b:s4+s2] =	stream.indirect_vreg.scatter [tilespmem:s18], [sflag:$0x1], $0x80, v3, vm0, $0xb8;
	[tilespmem:$0xC100] =	vst v63  }
0x47: {  	_ = 	snop  }
0x48: {  	[hbm4b:s5+s2] =	stream.indirect_vreg.scatter [tilespmem:s19], [sflag:$0x1], $0x80, v3, vm0, $0xb8;
	[tilespmem:$0xC100] =	vst v63  }
0x49: {  	v3 =	vld [tilespmem:$0x20];
	_ =	sdelay $0x4  }
0x4a: {  	v58 =	vshrl.u32 v3, $0x3  }
0x4b: {  	v4 =	vmul.u32 $0x30, v58  }
0x4c: {  	v3 =	vand.u32 $0x7, v3  }
0x4d: {  	v3 =	vor.u32 v3, v4  }
0x4e: {  	v4 =	vperm.xlane v3, v0;
	_ =	sdelay $0x1  }
0x4f: {  	v4 =	vadd.s32 v1, v4;
	_ =	sdelay $0x3  }
0x50: {  	v3 =	vperm.xlane v3, v2  }
0x51: {  	[hbm4b:s3+s2] =	stream.indirect_vreg.scatter [tilespmem:s20], [sflag:$0x1], $0x80, v4, vm0, $0xb8;
	[tilespmem:$0xC100] =	vst v63  }
0x52: {  	v3 =	vadd.s32 v1, v3  }
0x53: {  	[hbm4b:s4+s2] =	stream.indirect_vreg.scatter [tilespmem:s21], [sflag:$0x1], $0x80, v4, vm0, $0xb8;
	[tilespmem:$0xC100] =	vst v63  }
0x54: {  	_ = 	snop  }
0x55: {  	[hbm4b:s5+s2] =	stream.indirect_vreg.scatter [tilespmem:s22], [sflag:$0x1], $0x80, v4, vm0, $0xb8;
	[tilespmem:$0xC100] =	vst v63  }
0x56: {  	_ = 	snop  }
0x57: {  	[hbm4b:s3+s2] =	stream.indirect_vreg.scatter [tilespmem:s23], [sflag:$0x1], $0x80, v3, vm0, $0xb8;
	[tilespmem:$0xC100] =	vst v63  }
0x58: {  	_ = 	snop  }
0x59: {  	[hbm4b:s4+s2] =	stream.indirect_vreg.scatter [tilespmem:s24], [sflag:$0x1], $0x80, v3, vm0, $0xb8;
	[tilespmem:$0xC100] =	vst v63  }
0x5a: {  	_ = 	snop  }
0x5b: {  	[hbm4b:s5+s2] =	stream.indirect_vreg.scatter [tilespmem:s25], [sflag:$0x1], $0x80, v3, vm0, $0xb8;
	[tilespmem:$0xC100] =	vst v63  }
0x5c: {  	v3 =	vld [tilespmem:$0x30];
	_ =	sdelay $0x4  }
0x5d: {  	v59 =	vshrl.u32 v3, $0x3  }
0x5e: {  	v4 =	vmul.u32 $0x30, v59  }
0x5f: {  	v3 =	vand.u32 $0x7, v3  }
0x60: {  	v3 =	vor.u32 v3, v4  }
0x61: {  	v4 =	vperm.xlane v3, v0;
	_ =	sdelay $0x1  }
0x62: {  	v4 =	vadd.s32 v1, v4;
	_ =	sdelay $0x3  }
0x63: {  	v3 =	vperm.xlane v3, v2  }
0x64: {  	[hbm4b:s3+s2] =	stream.indirect_vreg.scatter [tilespmem:s26], [sflag:$0x1], $0x80, v4, vm0, $0xb8;
	[tilespmem:$0xC100] =	vst v63  }
0x65: {  	v3 =	vadd.s32 v1, v3  }
0x66: {  	[hbm4b:s4+s2] =	stream.indirect_vreg.scatter [tilespmem:s28], [sflag:$0x1], $0x80, v4, vm0, $0xb8;
	[tilespmem:$0xC100] =	vst v63  }
0x67: {  	_ = 	snop  }
0x68: {  	[hbm4b:s5+s2] =	stream.indirect_vreg.scatter [tilespmem:s29], [sflag:$0x1], $0x80, v4, vm0, $0xb8;
	[tilespmem:$0xC100] =	vst v63  }
0x69: {  	_ = 	snop  }
0x6a: {  	[hbm4b:s3+s2] =	stream.indirect_vreg.scatter [tilespmem:s30], [sflag:$0x1], $0x80, v3, vm0, $0xb8;
	[tilespmem:$0xC100] =	vst v63  }
0x6b: {  	_ = 	snop  }
0x6c: {  	[hbm4b:s4+s2] =	stream.indirect_vreg.scatter [tilespmem:s31], [sflag:$0x1], $0x80, v3, vm0, $0xb8;
	[tilespmem:$0xC100] =	vst v63  }
0x6d: {  	_ = 	snop  }
0x6e: {  	[hbm4b:s5+s2] =	stream.indirect_vreg.scatter [tilespmem:s1], [sflag:$0x1], $0x80, v3, vm0, $0xb8;
	[tilespmem:$0xC100] =	vst v63  }
0x6f: {  	v3 =	vld [tilespmem:$0x80];
	_ =	sdelay $0x4  }
0x70: {  	v60 =	vshrl.u32 v3, $0x3  }
0x71: {  	v4 =	vmul.u32 $0x30, v60  }
0x72: {  	v3 =	vand.u32 $0x7, v3  }
0x73: {  	v3 =	vor.u32 v3, v4  }
0x74: {  	v4 =	vperm.xlane v3, v0;
	_ =	sdelay $0x1  }
0x75: {  	v4 =	vadd.s32 v1, v4;
	_ =	sdelay $0x3  }
0x76: {  	v3 =	vperm.xlane v3, v2  }
0x77: {  	[hbm4b:s3+s2] =	stream.indirect_vreg.scatter [tilespmem:s8], [sflag:$0x1], $0x80, v4, vm0, $0xb8;
	[tilespmem:$0xC100] =	vst v63  }
0x78: {  	v3 =	vadd.s32 v1, v3  }
0x79: {  	[hbm4b:s4+s2] =	stream.indirect_vreg.scatter [tilespmem:s9], [sflag:$0x1], $0x80, v4, vm0, $0xb8;
	[tilespmem:$0xC100] =	vst v63  }
0x7a: {  	_ = 	snop  }
0x7b: {  	[hbm4b:s5+s2] =	stream.indirect_vreg.scatter [tilespmem:s10], [sflag:$0x1], $0x80, v4, vm0, $0xb8;
	[tilespmem:$0xC100] =	vst v63  }
0x7c: {  	_ = 	snop  }
0x7d: {  	[hbm4b:s3+s2] =	stream.indirect_vreg.scatter [tilespmem:s11], [sflag:$0x1], $0x80, v3, vm0, $0xb8;
	[tilespmem:$0xC100] =	vst v63  }
0x7e: {  	_ = 	snop  }
0x7f: {  	[hbm4b:s4+s2] =	stream.indirect_vreg.scatter [tilespmem:s12], [sflag:$0x1], $0x80, v3, vm0, $0xb8;
	[tilespmem:$0xC100] =	vst v63  }
0x80: {  	_ = 	snop  }
0x81: {  	[hbm4b:s5+s2] =	stream.indirect_vreg.scatter [tilespmem:s13], [sflag:$0x1], $0x80, v3, vm0, $0xb8;
	[tilespmem:$0xC100] =	vst v63  }
0x82: {  	v3 =	vld [tilespmem:$0x90];
	_ =	sdelay $0x4  }
0x83: {  	v61 =	vshrl.u32 v3, $0x3  }
0x84: {  	v4 =	vmul.u32 $0x30, v61  }
0x85: {  	v3 =	vand.u32 $0x7, v3  }
0x86: {  	v3 =	vor.u32 v3, v4  }
0x87: {  	v4 =	vperm.xlane v3, v0;
	_ =	sdelay $0x1  }
0x88: {  	v4 =	vadd.s32 v1, v4;
	_ =	sdelay $0x3  }
0x89: {  	v3 =	vperm.xlane v3, v2  }
0x8a: {  	[hbm4b:s3+s2] =	stream.indirect_vreg.scatter [tilespmem:s14], [sflag:$0x1], $0x80, v4, vm0, $0xb8;
	[tilespmem:$0xC100] =	vst v63  }
0x8b: {  	v3 =	vadd.s32 v1, v3  }
0x8c: {  	[hbm4b:s4+s2] =	stream.indirect_vreg.scatter [tilespmem:s15], [sflag:$0x1], $0x80, v4, vm0, $0xb8;
	[tilespmem:$0xC100] =	vst v63  }
0x8d: {  	_ = 	snop  }
0x8e: {  	[hbm4b:s5+s2] =	stream.indirect_vreg.scatter [tilespmem:s16], [sflag:$0x1], $0x80, v4, vm0, $0xb8;
	[tilespmem:$0xC100] =	vst v63  }
0x8f: {  	_ = 	snop  }
0x90: {  	[hbm4b:s3+s2] =	stream.indirect_vreg.scatter [tilespmem:s17], [sflag:$0x1], $0x80, v3, vm0, $0xb8;
	[tilespmem:$0xC100] =	vst v63  }
0x91: {  	_ = 	snop  }
0x92: {  	[hbm4b:s4+s2] =	stream.indirect_vreg.scatter [tilespmem:s18], [sflag:$0x1], $0x80, v3, vm0, $0xb8;
	[tilespmem:$0xC100] =	vst v63  }
0x93: {  	_ = 	snop  }
0x94: {  	[hbm4b:s5+s2] =	stream.indirect_vreg.scatter [tilespmem:s19], [sflag:$0x1], $0x80, v3, vm0, $0xb8;
	[tilespmem:$0xC100] =	vst v63  }
0x95: {  	v3 =	vld [tilespmem:$0xA0];
	_ =	sdelay $0x4  }
0x96: {  	v62 =	vshrl.u32 v3, $0x3  }
0x97: {  	v4 =	vmul.u32 $0x30, v62  }
0x98: {  	v3 =	vand.u32 $0x7, v3  }
0x99: {  	v3 =	vor.u32 v3, v4  }
0x9a: {  	v4 =	vperm.xlane v3, v0;
	_ =	sdelay $0x1  }
0x9b: {  	v4 =	vadd.s32 v1, v4;
	_ =	sdelay $0x3  }
0x9c: {  	v3 =	vperm.xlane v3, v2  }
0x9d: {  	[hbm4b:s3+s2] =	stream.indirect_vreg.scatter [tilespmem:s20], [sflag:$0x1], $0x80, v4, vm0, $0xb8;
	[tilespmem:$0xC100] =	vst v63  }
0x9e: {  	v3 =	vadd.s32 v1, v3  }
0x9f: {  	[hbm4b:s4+s2] =	stream.indirect_vreg.scatter [tilespmem:s21], [sflag:$0x1], $0x80, v4, vm0, $0xb8;
	[tilespmem:$0xC100] =	vst v63  }
0xa0: {  	_ = 	snop  }
0xa1: {  	[hbm4b:s5+s2] =	stream.indirect_vreg.scatter [tilespmem:s22], [sflag:$0x1], $0x80, v4, vm0, $0xb8;
	[tilespmem:$0xC100] =	vst v63  }
0xa2: {  	_ = 	snop  }
0xa3: {  	[hbm4b:s3+s2] =	stream.indirect_vreg.scatter [tilespmem:s23], [sflag:$0x1], $0x80, v3, vm0, $0xb8;
	[tilespmem:$0xC100] =	vst v63  }
0xa4: {  	_ = 	snop  }
0xa5: {  	[hbm4b:s4+s2] =	stream.indirect_vreg.scatter [tilespmem:s24], [sflag:$0x1], $0x80, v3, vm0, $0xb8;
	[tilespmem:$0xC100] =	vst v63  }
0xa6: {  	_ = 	snop  }
0xa7: {  	[hbm4b:s5+s2] =	stream.indirect_vreg.scatter [tilespmem:s25], [sflag:$0x1], $0x80, v3, vm0, $0xb8;
	[tilespmem:$0xC100] =	vst v63  }
0xa8: {  	v3 =	vld [tilespmem:$0xB0];
	_ =	sdelay $0x4  }
0xa9: {  	v63 =	vshrl.u32 v3, $0x3  }
0xaa: {  	v4 =	vmul.u32 $0x30, v63  }
0xab: {  	v3 =	vand.u32 $0x7, v3  }
0xac: {  	v3 =	vor.u32 v3, v4  }
0xad: {  	v4 =	vperm.xlane v3, v0;
	_ =	sdelay $0x1  }
0xae: {  	v4 =	vadd.s32 v1, v4;
	_ =	sdelay $0x3  }
0xaf: {  	v3 =	vperm.xlane v3, v2  }
0xb0: {  	[hbm4b:s3+s2] =	stream.indirect_vreg.scatter [tilespmem:s26], [sflag:$0x1], $0x80, v4, vm0, $0xb8;
	[tilespmem:$0xC100] =	vst v63  }
0xb1: {  	v3 =	vadd.s32 v1, v3  }
0xb2: {  	[hbm4b:s4+s2] =	stream.indirect_vreg.scatter [tilespmem:s28], [sflag:$0x1], $0x80, v4, vm0, $0xb8;
	[tilespmem:$0xC100] =	vst v63  }
0xb3: {  	_ = 	snop  }
0xb4: {  	[hbm4b:s5+s2] =	stream.indirect_vreg.scatter [tilespmem:s29], [sflag:$0x1], $0x80, v4, vm0, $0xb8;
	[tilespmem:$0xC100] =	vst v63  }
0xb5: {  	_ = 	snop  }
0xb6: {  	[hbm4b:s3+s2] =	stream.indirect_vreg.scatter [tilespmem:s30], [sflag:$0x1], $0x80, v3, vm0, $0xb8;
	[tilespmem:$0xC100] =	vst v63  }
0xb7: {  	_ = 	snop  }
0xb8: {  	[hbm4b:s4+s2] =	stream.indirect_vreg.scatter [tilespmem:s31], [sflag:$0x1], $0x80, v3, vm0, $0xb8;
	[tilespmem:$0xC100] =	vst v63  }
0xb9: {  	_ = 	snop  }
0xba: {  	[hbm4b:s5+s2] =	stream.indirect_vreg.scatter [tilespmem:s1], [sflag:$0x1], $0x80, v3, vm0, $0xb8;
	[tilespmem:$0xC100] =	vst v63  }
0xbb: {  	p0 =	sne.s32 s6, $0x1;
	_ =	swait.ge [sflag:s0], $0xC000  }
.Ltmp0:
0xbc: {  	[sflag:s0] =	ssyncset.done $0x0;
	(pc) =	sbr.rel @p0 .LBB2_1-.Ltmp0, $4  }
0xbd: {  	[sflag:s0] =	ssyncadd.s32 $0xFFFF4000  }
0xbe: {  	_ =	swait.ge [sflag:s0], $0xC000  }
0xbf: {  	[sflag:s0] =	ssyncset.done $0x0  }
0xc0: {  	s6 =	sadd.s32 $0xFFFFFFFF, s6;
	[sflag:s0] =	ssyncadd.s32 $0xFFFF4000  }
0xc1: {  	_ =	sfence.sel $0x180000  }
0xc2: {  	[bflag:$0x0] =	sbarrier.arrive $0xFFFF  }
0xc3: {  	_ =	strace $0x90000047  }
0xc4: {  	s0 =	stileid.u32;
	[bflag:$0x2] =	sbarrier.arrive $0xFFFF  }
0xc5: {  	p0 =	sne.s32 s0, $0x0;
	s0 =	rddreg [dreg:$0x2]  }
0xc6: {  	s0 =	sadd.s32 @!p0 $0x100000, s0  }
0xc7: {  	[sflag:s0] =	ssyncadd.tile.s32 @!p0 $0x1;
	_ =	shalt  }
.Lfunc_end2:
_tile_overlayer_lowered:
.L_overlay_start_2:
0xc8: {  	(tag) =	ssettag $0x2  }
0xc9: {  	s0 =	rddreg [dreg:$0x0];
	s2 =	stileid.u32  }
0xca: {  	s1 =	rddreg [dreg:$0x1];
	p0 =	sne.s32 s2, $0x0  }
0xcb: {  	s3 =	rddreg [dreg:$0x2];
	[bflag:$0x3] =	sbarrier.arrive $0xFFFF;
	s2 =	simm.s32 @!p0 $0x1C02  }
0xcc: {  	[timem:s3], [sflag:s2] =	dma.local @!p0 [hbm:s0], s1  }
0xcd: {  	s0 =	simm.s32 @!p0 $0x2  }
0xce: {  	_ =	swait.ge @!p0 [sflag:s0], s1  }
0xcf: {  	s1 =	ssub.s32 @!p0 $0x0, s1;
	[sflag:s0] =	ssyncset.done @!p0 $0x0  }
0xd0: {  	[sflag:s0] =	ssyncadd.s32 @!p0 s1  }
0xd1: {  	[bflag:$0x3] =	sbarrier.arrive $0xFFFF  }
0xd2: {  	_ =	shalt  }

// kernel: kernel.9.cloned.1.call-start
scs
__scs_entry_jumppad:
0x0: {  	(pc) =	sbr.rel $0x88, $3  }
0x1: {  	(tag) =	ssettag $0x0;
	lr =	simm.s32 $0x1  }
0x2: {  	[smem:$0x3F9C] =	sst lr;
	_ =	strace $0xD0000000  }
0x3: {  	_ = 	snop  }
0x4: {  	_ = 	snop  }
0x5: {  	_ = 	snop  }
0x6: {  	_ = 	snop  }
0x7: {  	_ = 	snop  }
__scs_overlays_trampoline_lowered:
0x8: {  	[smem:$0x3FAB] =	sst s0  }
0x9: {  	[smem:$0x3FAC] =	sst s1  }
0xa: {  	[smem:$0x3FAD] =	sst s2  }
0xb: {  	[smem:$0x3FAE] =	sst s3  }
0xc: {  	[smem:$0x3FAF] =	sst s4  }
0xd: {  	[smem:$0x3FB0] =	sst s5  }
0xe: {  	[smem:$0x3FB1] =	sst s6  }
0xf: {  	[smem:$0x3FB2] =	sst s7  }
0x10: {  	[smem:$0x3FB3] =	sst s8  }
0x11: {  	[smem:$0x3FB4] =	sst s9;
	s0 =	simm.s32 @!p0 $0x0  }
0x12: {  	s1 =	sld [smem:$0x3F9A];
	s0 =	simm.s32 @p0 $0x1  }
0x13: {  	[smem:$0x3FB5] =	sst s0;
	s0 =	simm.s32 @!p1 $0x0  }
0x14: {  	s2 =	sld [smem:$0x3F99];
	s0 =	simm.s32 @p1 $0x1  }
0x15: {  	[smem:$0x3FB6] =	sst s0;
	s0 =	simm.s32 @!p2 $0x0  }
0x16: {  	s3 =	sld [smem:$0x3FDB];
	s0 =	simm.s32 @p2 $0x1  }
0x17: {  	s4 =	simm.s32 $0x1BF5;
	[smem:$0x3FB8] =	sst s0  }
0x18: {  	s0 =	sld [smem:$0x3F9B];
	_ =	swait.ge [sflag:s4], $0x0  }
0x19: {  	s7 =	sld [smem:$0x3F9C]  }
0x1a: {  	s8 =	sadd.s32 $0xFFFFE003, lr  }
0x1b: {  	s9 =	sadd.s32 $0xFFFFFEF7, lr;
	s5 =	simm.s32 $0xFFFFFFFF;
	p2 =	slt.u32 s8, $0xFFFFF086  }
0x1c: {  	p1 =	slt.u32 s9, $0xF7A;
	s5 =	simm.s32 @!p2 $0x0  }
0x1d: {  	s5 =	simm.s32 @p1 $0x1;
	p0 =	seq.s32 s7, s2  }
0x1e: {  	s7 =	smul.u32 @!p0 $0xF7A, s2;
	p2 =	seq.s32 @!p0 s5, $0x0  }
0x1f: {  	s9 =	smul.u32 $0xF7A, s1;
	s8 =	simm.s32 @!p0 $0x1BF5;
	p2 =	por !p2, p0  }
0x20: {  	[sflag:s8] =	ssyncset.s32 @!p0 $0xFFFFF086;
	s6 =	sadd.s32 @!p0 s3, s7;
	s7 =	simm.s32 @!p0 $0x108  }
0x21: {  	s3 =	sadd.s32 s3, s9;
	s6 =	sadd.s32 @!p0 $0x88, s6;
	s7 =	simm.s32 @p2 $0x1082  }
0x22: {  	[simem:s7], [sflag:s8] =	dma.local @!p0 [hbm:s6], $0xF7A  }
0x23: {  	s9 =	sor.u32 $0xD0000000, s2;
	s6 =	simm.s32 $0x108;
	_ =	swait.ge @!p0 [sflag:s8], $0x0  }
0x24: {  	s3 =	sadd.s32 $0x88, s3;
	s6 =	simm.s32 @!p1 $0x1082;
	[sflag:s4] =	ssyncset.s32 $0xFFFFF086  }
0x25: {  	[simem:s6], [sflag:s4] =	dma.local [hbm:s3], $0xF7A  }
0x26: {  	[smem:$0x3F9C] =	sst s1;
	(tag) =	ssettag s2;
	_ =	strace s9  }
0x27: {  	s1 =	sld [smem:$0x3FAC]  }
0x28: {  	s2 =	sld [smem:$0x3FAD]  }
0x29: {  	s4 =	sld [smem:$0x3FAF]  }
0x2a: {  	p0 =	seq.s32 s5, $0x0;
	s5 =	sld [smem:$0x3FB0]  }
0x2b: {  	s6 =	sld [smem:$0x3FB1]  }
0x2c: {  	s7 =	sld [smem:$0x3FB2]  }
0x2d: {  	s3 =	simm.s32 $0x108;
	s8 =	sld [smem:$0x3FB3]  }
0x2e: {  	s3 =	simm.s32 @!p0 $0x1082;
	s9 =	sld [smem:$0x3FB4]  }
0x2f: {  	lr =	sadd.s32 s0, s3;
	s0 =	sld [smem:$0x3FAB]  }
0x30: {  	s3 =	sld [smem:$0x3FAE]  }
0x31: {  	[smem:$0x3FB7] =	sst s10  }
0x32: {  	s10 =	sld [smem:$0x3FB5];
	_ =	sdelay $0x3  }
0x33: {  	p0 =	seq.s32 s10, $0x1;
	s10 =	sld [smem:$0x3FB7];
	_ =	sdelay $0x3  }
0x34: {  	[smem:$0x3FB7] =	sst s10  }
0x35: {  	s10 =	sld [smem:$0x3FB6];
	_ =	sdelay $0x3  }
0x36: {  	p1 =	seq.s32 s10, $0x1;
	s10 =	sld [smem:$0x3FB7];
	_ =	sdelay $0x3  }
0x37: {  	[smem:$0x3FB7] =	sst s10  }
0x38: {  	s10 =	sld [smem:$0x3FB8]  }
0x39: {  	_ = 	snop;
	(pc) =	sbr.ind lr, $3  }
0x3a: {  	_ = 	snop  }
0x3b: {  	_ = 	snop  }
0x3c: {  	p2 =	seq.s32 s10, $0x1;
	s10 =	sld [smem:$0x3FB7]  }
0x3d: {  	_ =	shalt  }
0x3e: {  	_ =	shalt  }
0x3f: {  	_ =	shalt  }
0x40: {  	_ =	shalt  }
0x41: {  	_ =	shalt  }
0x42: {  	_ =	shalt  }
0x43: {  	_ =	shalt  }
0x44: {  	_ =	shalt  }
0x45: {  	_ =	shalt  }
0x46: {  	_ =	shalt  }
0x47: {  	_ =	shalt  }
0x48: {  	_ =	shalt  }
0x49: {  	_ =	shalt  }
0x4a: {  	_ =	shalt  }
0x4b: {  	_ =	shalt  }
0x4c: {  	_ =	shalt  }
0x4d: {  	_ =	shalt  }
0x4e: {  	_ =	shalt  }
0x4f: {  	_ =	shalt  }
0x50: {  	_ =	shalt  }
0x51: {  	_ =	shalt  }
0x52: {  	_ =	shalt  }
0x53: {  	_ =	shalt  }
0x54: {  	_ =	shalt  }
0x55: {  	_ =	shalt  }
0x56: {  	_ =	shalt  }
0x57: {  	_ =	shalt  }
0x58: {  	_ =	shalt  }
0x59: {  	_ =	shalt  }
0x5a: {  	_ =	shalt  }
0x5b: {  	_ =	shalt  }
0x5c: {  	_ =	shalt  }
0x5d: {  	_ =	shalt  }
0x5e: {  	_ =	shalt  }
0x5f: {  	_ =	shalt  }
0x60: {  	_ =	shalt  }
0x61: {  	_ =	shalt  }
0x62: {  	_ =	shalt  }
0x63: {  	_ =	shalt  }
0x64: {  	_ =	shalt  }
0x65: {  	_ =	shalt  }
0x66: {  	_ =	shalt  }
0x67: {  	_ =	shalt  }
0x68: {  	_ =	shalt  }
0x69: {  	_ =	shalt  }
0x6a: {  	_ =	shalt  }
0x6b: {  	_ =	shalt  }
0x6c: {  	_ =	shalt  }
0x6d: {  	_ =	shalt  }
0x6e: {  	_ =	shalt  }
0x6f: {  	_ =	shalt  }
0x70: {  	_ =	shalt  }
0x71: {  	_ =	shalt  }
0x72: {  	_ =	shalt  }
0x73: {  	_ =	shalt  }
0x74: {  	_ =	shalt  }
0x75: {  	_ =	shalt  }
0x76: {  	_ =	shalt  }
0x77: {  	_ =	shalt  }
0x78: {  	_ =	shalt  }
0x79: {  	_ =	shalt  }
0x7a: {  	_ =	shalt  }
0x7b: {  	_ =	shalt  }
0x7c: {  	_ =	shalt  }
0x7d: {  	_ =	shalt  }
0x7e: {  	_ =	shalt  }
0x7f: {  	_ =	shalt  }
0x80: {  	_ =	shalt  }
0x81: {  	_ =	shalt  }
0x82: {  	_ =	shalt  }
0x83: {  	_ =	shalt  }
0x84: {  	_ =	shalt  }
0x85: {  	_ =	shalt  }
0x86: {  	_ =	shalt  }
0x87: {  	_ =	shalt  }
.Lfunc_end0:
.L_simem_size_0:
called_computation.1_lowered:
.L_overlay_start_0:
0x88: {  	s2 =	sld [smem:$0x3FD9]  }
0x89: {  	s3 =	sld [smem:$0x3FFE];
	_ =	sdelay $0x1  }
0x8a: {  	s1 =	srdreg.scid  }
0x8b: {  	s0 =	sand.u32 $0x1, s1  }
0x8c: {  	s17 =	sshll.u32 s0, $0xA;
	s2 =	sadd.s32 s3, s2  }
0x8d: {  	s2 =	sadd.s32 s2, s17  }
0x8e: {  	[smem:$0x3FC3] =	sst s2  }
0x8f: {  	_ = 	snop  }
0x90: {  	s2 =	sld [smem:$0x3FD0];
	(tm) =	ssettm $0x1  }
0x91: {  	s18 =	sld [smem:$0x3FFB];
	_ =	sdelay $0x3  }
0x92: {  	_ =	strace s18  }
0x93: {  	s3 =	sld [smem:$0x3FFC];
	_ =	sdelay $0x3  }
0x94: {  	_ =	strace s3  }
0x95: {  	s3 =	sld [smem:$0x3FFD];
	_ =	sdelay $0x3  }
0x96: {  	_ =	strace s3  }
0x97: {  	_ =	strace $0x8FFFFFFF  }
0x98: {  	s19 =	sld [smem:$0x3FDB];
	_ =	sdelay $0x1  }
0x99: {  	s4 =	simm.s32 $_scs_section_size  }
0x9a: {  	s5 =	simm.s32 $_size__tile_overlayer_lowered;
	s6 =	simm.s32 $_tile_overlayer_lowered  }
0x9b: {  	s22 =	simm.s32 $0x1BFF;
	s21 =	sshll.u32 s6, $0x1;
	s3 =	sadd.s32 s4, s19  }
0x9c: {  	s7 =	simm.s32 $0x0;
	s20 =	sshll.u32 s5, $0x1;
	s5 =	sadd.s32 s21, s3  }
0x9d: {  	[timem:s7], [sflag:s22] =	dma.local [hbm:s5], s20  }
0x9e: {  	_ =	swait.ge [sflag:s22], s20  }
0x9f: {  	s4 =	ssub.s32 $0x0, s20;
	[sflag:s22] =	ssyncset.done $0x0  }
0xa0: {  	[sflag:s22] =	ssyncadd.s32 s4;
	_ =	sdelay $0x1  }
0xa1: {  	s23 =	simm.s32 $0x1B8B  }
0xa2: {  	_ =	swait.ge [sflag:s23], $0x1  }
0xa3: {  	[sflag:s23] =	ssyncset.done $0x0  }
0xa4: {  	s25 =	simm.s32 $0x1B8E;
	s24 =	sld [smem:$0x3FFE];
	[sflag:s23] =	ssyncadd.s32 $0xFFFFFFFF  }
0xa5: {  	s26 =	simm.s32 $execute0_lowered;
	[smem:$0x3FD2] =	sst s25  }
0xa6: {  	s5 =	sshll.u32 s26, $0x1;
	_ =	strace $0x80000049;
	[dreg:$0x1] =	wrdreg $0xFFFFFFFF  }
0xa7: {  	s28 =	simm.s32 $_size_execute0_lowered;
	s3 =	sadd.s32 s3, s5;
	[dreg:$0x0] =	wrdreg $0x0  }
0xa8: {  	s5 =	sshll.u32 s28, $0x1;
	[dreg:$0x2] =	wrdreg s3  }
0xa9: {  	[dreg:$0x3] =	wrdreg s5  }
0xaa: {  	[dreg:$0x4] =	wrdreg $0xC0  }
0xab: {  	_ =	task [dreg:s7], $0x5FFFF  }
0xac: {  	[dreg:$0x1] =	wrdreg $0xFFFFFFFF  }
0xad: {  	[dreg:$0x0] =	wrdreg $0x60  }
0xae: {  	[dreg:$0x2] =	wrdreg s24  }
0xaf: {  	[dreg:$0x3] =	wrdreg s2  }
0xb0: {  	[dreg:$0x4] =	wrdreg $0x9  }
0xb1: {  	_ =	task.clear_ibuf [dreg:s7], $0x5FFFF;
	_ =	strace $0x90000049  }
0xb2: {  	s29 =	simm.s32 $0x9;
	_ =	strace $0x8000004B  }
0xb3: {  	_ =	swait.ge [sflag:s29], $0x1  }
0xb4: {  	[sflag:s29] =	ssyncadd.s32 $0xFFFFFFFF  }
0xb5: {  	_ =	strace $0x9000004B  }
0xb6: {  	_ =	sfence  }
0xb7: {  	s30 =	sld [smem:$0x0];
	_ =	sdelay $0x2  }
0xb8: {  	s31 =	sshll.u32 s1, $0xD;
	s1 =	sshrl.u32 s1, $0x2  }
0xb9: {  	s3 =	sand.u32 $0x4000, s31;
	s1 =	sadd.s32 s1, s30  }
0xba: {  	s0 =	sor.u32 s3, s0;
	s1 =	sshll.u32 s1, $0x11  }
0xbb: {  	s0 =	sor.u32 s1, s0  }
0xbc: {  	s0 =	sadd.s32 $0x8F2B, s0  }
0xbd: {  	[sflag:s0] =	ssyncadd.remote.s32 $0x1  }
0xbe: {  	_ =	sfence.sel $0xFFFF  }
0xbf: {  	[dreg:$0x0] =	wrdreg $0xFFFFFFFF;
	(pc) =	sbr.abs _section_cstart, $3  }
0xc0: {  	[dreg:$0x1] =	wrdreg $0xFFFFFFFF  }
0xc1: {  	_ =	task.clear_ibuf [dreg:s7], $0x2FFFF;
	_ =	strace $0x9FFFFFFF  }
0xc2: {  	(tm) =	ssettm $0x7FFFFFFF  }
0xc3: {  	_ =	shalt  }
tec
execute0_lowered:
.L_overlay_start_1:
0x0: {  	(tag) =	ssettag $0x1  }
0x1: {  	s0 =	rddreg [dreg:$0x0]  }
0x2: {  	s1 =	rddreg [dreg:$0x1];
	s3 =	srdreg.scid;
	s2 =	simm.s32 $0x0  }
0x3: {  	s5 =	stileid.u32;
	s12 =	simm.s32 $0x100;
	s28 =	simm.s32 $0x12100  }
0x4: {  	s29 =	simm.s32 $0x12900;
	s30 =	simm.s32 $0x13100;
	s31 =	simm.s32 $0x13900  }
0x5: {  	s11 =	simm.s32 $0x15100;
	s13 =	simm.s32 $0x15900;
	s14 =	simm.s32 $0x16100  }
0x6: {  	s15 =	simm.s32 $0x16900;
	s16 =	simm.s32 $0x17100;
	s17 =	simm.s32 $0x17900  }
0x7: {  	s18 =	simm.s32 $0x1;
	s19 =	simm.s32 $0x0;
	s4 =	sand.u32 $0x1, s3  }
0x8: {  	[smem:$0x7FF] =	sst s2;
	s23 =	sshll.u32 s5, $0x7;
	s3 =	sadd.s32 $0x1600, s0  }
0x9: {  	s8 =	sadd.s32 $0x1400, s0;
	s24 =	sshll.u32 s4, $0x6;
	s4 =	ssub.s32 $0x2, s4  }
0xa: {  	_ =	strace $0x8000004A;
	s6 =	sor.u32 s24, s23;
	s9 =	sshrl.u32 s4, $0x1  }
0xb: {  	s7 =	sshll.u32 s6, $0x1;
	s9 =	ssub.s32 s4, s9;
	s6 =	sshrl.u32 s6, $0x3  }
0xc: {  	s10 =	sand.u32 $0xF00, s7;
	s5 =	sor.u32 s24, s7;
	s26 =	smul.u32 $0x300, s6  }
0xd: {  	s6 =	sadd.s32 $0x1700, s0;
	s7 =	sadd.s32 $0x1800, s0;
	s9 =	smax.u32 s9, $0x1  }
0xe: {  	s0 =	simm.s32 $0x14100;
	s25 =	sor.u32 s24, s10;
	s5 =	sshrl.u32 s5, $0x3  }
0xf: {  	v2 =	vlaneseq.u32;
	s10 =	simm.s32 $0x2;
	s4 =	sshrl.u32 s25, $0x3;
	s5 =	sor.u32 $0x10, s5  }
0x10: {  	vm0 =	vmmov $0xffff;
	v1 =	vshrl.u32 v2, $0x3;
	s25 =	simm.s32 $0x11100;
	s4 =	sadd.s32 s8, s4;
	s5 =	sadd.s32 s8, s5  }
0x11: {  	v0 =	vand.u32 $0x7, v2;
	v2 =	vor.u32 $0x8, v2;
	v1 =	vmul.u32 $0x8, v1;
	s8 =	sadd.s32 s1, s26;
	s26 =	simm.s32 $0x11900;
	s1 =	simm.s32 $0x14900  }
.LBB2_1:
0x12: {  	[tilespmem:s2], [sflag:$0x2] =	stream.linear.gather [hbm4b:s4+s2], $0x40, $0x38;
	[tilespmem:$0x18100] =	vst v63  }
0x13: {  	_ =	swait.ge [sflag:s10], $0x40  }
0x14: {  	[sflag:s10] =	ssyncset.done $0x0  }
0x15: {  	s20 =	simm.s32 $0x80;
	[sflag:s10] =	ssyncadd.s32 $0xFFFFFFC0  }
0x16: {  	[tilespmem:s20], [sflag:$0x2] =	stream.linear.gather [hbm4b:s5+s2], $0x40, $0x38;
	[tilespmem:$0x18100] =	vst v63  }
0x17: {  	_ =	swait.ge [sflag:s10], $0x40  }
0x18: {  	[sflag:s10] =	ssyncset.done $0x0  }
0x19: {  	[sflag:s10] =	ssyncadd.s32 $0xFFFFFFC0  }
0x1a: {  	v3 =	vld [tilespmem:$0x0];
	_ =	sdelay $0x4  }
0x1b: {  	v4 =	vshrl.u32 v3, $0x3  }
0x1c: {  	v4 =	vmul.u32 $0x30, v4  }
0x1d: {  	v3 =	vand.u32 $0x7, v3  }
0x1e: {  	v3 =	vor.u32 v3, v4  }
0x1f: {  	v4 =	vperm.xlane v3, v0;
	_ =	sdelay $0x1  }
0x20: {  	v4 =	vadd.s32 v1, v4;
	_ =	sdelay $0x3  }
0x21: {  	v3 =	vperm.xlane v3, v2  }
0x22: {  	[tilespmem:s12], [sflag:$0x1] =	stream.indirect_vreg.gather [hbm4b:s3+s2], $0x80, v4, vm0, $0xb8;
	[tilespmem:$0x18100] =	vst v63  }
0x23: {  	s23 =	simm.s32 $0x900;
	v3 =	vadd.s32 v1, v3  }
0x24: {  	[tilespmem:s23], [sflag:$0x1] =	stream.indirect_vreg.gather [hbm4b:s6+s2], $0x80, v4, vm0, $0xb8;
	[tilespmem:$0x18100] =	vst v63  }
0x25: {  	s24 =	simm.s32 $0x1100  }
0x26: {  	[tilespmem:s24], [sflag:$0x1] =	stream.indirect_vreg.gather [hbm4b:s7+s2], $0x80, v4, vm0, $0xb8;
	[tilespmem:$0x18100] =	vst v63  }
0x27: {  	s21 =	simm.s32 $0x1900  }
0x28: {  	[tilespmem:s21], [sflag:$0x1] =	stream.indirect_vreg.gather [hbm4b:s3+s2], $0x80, v3, vm0, $0xb8;
	[tilespmem:$0x18100] =	vst v63  }
0x29: {  	s22 =	simm.s32 $0x2100  }
0x2a: {  	[tilespmem:s22], [sflag:$0x1] =	stream.indirect_vreg.gather [hbm4b:s6+s2], $0x80, v3, vm0, $0xb8;
	[tilespmem:$0x18100] =	vst v63  }
0x2b: {  	s23 =	simm.s32 $0x2900  }
0x2c: {  	[tilespmem:s23], [sflag:$0x1] =	stream.indirect_vreg.gather [hbm4b:s7+s2], $0x80, v3, vm0, $0xb8;
	[tilespmem:$0x18100] =	vst v63  }
0x2d: {  	v3 =	vld [tilespmem:$0x10];
	_ =	sdelay $0x4  }
0x2e: {  	v4 =	vshrl.u32 v3, $0x3  }
0x2f: {  	v4 =	vmul.u32 $0x30, v4  }
0x30: {  	v3 =	vand.u32 $0x7, v3  }
0x31: {  	v3 =	vor.u32 v3, v4  }
0x32: {  	v4 =	vperm.xlane v3, v0;
	_ =	sdelay $0x1  }
0x33: {  	v4 =	vadd.s32 v1, v4;
	_ =	sdelay $0x3  }
0x34: {  	s24 =	simm.s32 $0x3100;
	v3 =	vperm.xlane v3, v2  }
0x35: {  	[tilespmem:s24], [sflag:$0x1] =	stream.indirect_vreg.gather [hbm4b:s3+s2], $0x80, v4, vm0, $0xb8;
	[tilespmem:$0x18100] =	vst v63  }
0x36: {  	s21 =	simm.s32 $0x3900;
	v3 =	vadd.s32 v1, v3  }
0x37: {  	[tilespmem:s21], [sflag:$0x1] =	stream.indirect_vreg.gather [hbm4b:s6+s2], $0x80, v4, vm0, $0xb8;
	[tilespmem:$0x18100] =	vst v63  }
0x38: {  	s22 =	simm.s32 $0x4100  }
0x39: {  	[tilespmem:s22], [sflag:$0x1] =	stream.indirect_vreg.gather [hbm4b:s7+s2], $0x80, v4, vm0, $0xb8;
	[tilespmem:$0x18100] =	vst v63  }
0x3a: {  	s23 =	simm.s32 $0x4900  }
0x3b: {  	[tilespmem:s23], [sflag:$0x1] =	stream.indirect_vreg.gather [hbm4b:s3+s2], $0x80, v3, vm0, $0xb8;
	[tilespmem:$0x18100] =	vst v63  }
0x3c: {  	s24 =	simm.s32 $0x5100  }
0x3d: {  	[tilespmem:s24], [sflag:$0x1] =	stream.indirect_vreg.gather [hbm4b:s6+s2], $0x80, v3, vm0, $0xb8;
	[tilespmem:$0x18100] =	vst v63  }
0x3e: {  	s21 =	simm.s32 $0x5900  }
0x3f: {  	[tilespmem:s21], [sflag:$0x1] =	stream.indirect_vreg.gather [hbm4b:s7+s2], $0x80, v3, vm0, $0xb8;
	[tilespmem:$0x18100] =	vst v63  }
0x40: {  	v3 =	vld [tilespmem:$0x20];
	_ =	sdelay $0x4  }
0x41: {  	v4 =	vshrl.u32 v3, $0x3  }
0x42: {  	v4 =	vmul.u32 $0x30, v4  }
0x43: {  	v3 =	vand.u32 $0x7, v3  }
0x44: {  	v3 =	vor.u32 v3, v4  }
0x45: {  	v4 =	vperm.xlane v3, v0;
	_ =	sdelay $0x1  }
0x46: {  	v4 =	vadd.s32 v1, v4;
	_ =	sdelay $0x3  }
0x47: {  	s22 =	simm.s32 $0x6100;
	v3 =	vperm.xlane v3, v2  }
0x48: {  	[tilespmem:s22], [sflag:$0x1] =	stream.indirect_vreg.gather [hbm4b:s3+s2], $0x80, v4, vm0, $0xb8;
	[tilespmem:$0x18100] =	vst v63  }
0x49: {  	s23 =	simm.s32 $0x6900;
	v3 =	vadd.s32 v1, v3  }
0x4a: {  	[tilespmem:s23], [sflag:$0x1] =	stream.indirect_vreg.gather [hbm4b:s6+s2], $0x80, v4, vm0, $0xb8;
	[tilespmem:$0x18100] =	vst v63  }
0x4b: {  	s24 =	simm.s32 $0x7100  }
0x4c: {  	[tilespmem:s24], [sflag:$0x1] =	stream.indirect_vreg.gather [hbm4b:s7+s2], $0x80, v4, vm0, $0xb8;
	[tilespmem:$0x18100] =	vst v63  }
0x4d: {  	s21 =	simm.s32 $0x7900  }
0x4e: {  	[tilespmem:s21], [sflag:$0x1] =	stream.indirect_vreg.gather [hbm4b:s3+s2], $0x80, v3, vm0, $0xb8;
	[tilespmem:$0x18100] =	vst v63  }
0x4f: {  	s22 =	simm.s32 $0x8100  }
0x50: {  	[tilespmem:s22], [sflag:$0x1] =	stream.indirect_vreg.gather [hbm4b:s6+s2], $0x80, v3, vm0, $0xb8;
	[tilespmem:$0x18100] =	vst v63  }
0x51: {  	s23 =	simm.s32 $0x8900  }
0x52: {  	[tilespmem:s23], [sflag:$0x1] =	stream.indirect_vreg.gather [hbm4b:s7+s2], $0x80, v3, vm0, $0xb8;
	[tilespmem:$0x18100] =	vst v63  }
0x53: {  	v3 =	vld [tilespmem:$0x30];
	_ =	sdelay $0x4  }
0x54: {  	v4 =	vshrl.u32 v3, $0x3  }
0x55: {  	v4 =	vmul.u32 $0x30, v4  }
0x56: {  	v3 =	vand.u32 $0x7, v3  }
0x57: {  	v3 =	vor.u32 v3, v4  }
0x58: {  	v4 =	vperm.xlane v3, v0;
	_ =	sdelay $0x1  }
0x59: {  	v4 =	vadd.s32 v1, v4;
	_ =	sdelay $0x3  }
0x5a: {  	s24 =	simm.s32 $0x9100;
	v3 =	vperm.xlane v3, v2  }
0x5b: {  	[tilespmem:s24], [sflag:$0x1] =	stream.indirect_vreg.gather [hbm4b:s3+s2], $0x80, v4, vm0, $0xb8;
	[tilespmem:$0x18100] =	vst v63  }
0x5c: {  	s21 =	simm.s32 $0x9900;
	v3 =	vadd.s32 v1, v3  }
0x5d: {  	[tilespmem:s21], [sflag:$0x1] =	stream.indirect_vreg.gather [hbm4b:s6+s2], $0x80, v4, vm0, $0xb8;
	[tilespmem:$0x18100] =	vst v63  }
0x5e: {  	s22 =	simm.s32 $0xA100  }
0x5f: {  	[tilespmem:s22], [sflag:$0x1] =	stream.indirect_vreg.gather [hbm4b:s7+s2], $0x80, v4, vm0, $0xb8;
	[tilespmem:$0x18100] =	vst v63  }
0x60: {  	s23 =	simm.s32 $0xA900  }
0x61: {  	[tilespmem:s23], [sflag:$0x1] =	stream.indirect_vreg.gather [hbm4b:s3+s2], $0x80, v3, vm0, $0xb8;
	[tilespmem:$0x18100] =	vst v63  }
0x62: {  	s24 =	simm.s32 $0xB100  }
0x63: {  	[tilespmem:s24], [sflag:$0x1] =	stream.indirect_vreg.gather [hbm4b:s6+s2], $0x80, v3, vm0, $0xb8;
	[tilespmem:$0x18100] =	vst v63  }
0x64: {  	s21 =	simm.s32 $0xB900  }
0x65: {  	[tilespmem:s21], [sflag:$0x1] =	stream.indirect_vreg.gather [hbm4b:s7+s2], $0x80, v3, vm0, $0xb8;
	[tilespmem:$0x18100] =	vst v63  }
0x66: {  	v3 =	vld [tilespmem:$0x80];
	_ =	sdelay $0x4  }
0x67: {  	v4 =	vshrl.u32 v3, $0x3  }
0x68: {  	v4 =	vmul.u32 $0x30, v4  }
0x69: {  	v3 =	vand.u32 $0x7, v3  }
0x6a: {  	v3 =	vor.u32 v3, v4  }
0x6b: {  	v4 =	vperm.xlane v3, v0;
	_ =	sdelay $0x1  }
0x6c: {  	v4 =	vadd.s32 v1, v4;
	_ =	sdelay $0x3  }
0x6d: {  	s22 =	simm.s32 $0xC100;
	v3 =	vperm.xlane v3, v2  }
0x6e: {  	[tilespmem:s22], [sflag:$0x1] =	stream.indirect_vreg.gather [hbm4b:s3+s2], $0x80, v4, vm0, $0xb8;
	[tilespmem:$0x18100] =	vst v63  }
0x6f: {  	s23 =	simm.s32 $0xC900;
	v3 =	vadd.s32 v1, v3  }
0x70: {  	[tilespmem:s23], [sflag:$0x1] =	stream.indirect_vreg.gather [hbm4b:s6+s2], $0x80, v4, vm0, $0xb8;
	[tilespmem:$0x18100] =	vst v63  }
0x71: {  	s24 =	simm.s32 $0xD100  }
0x72: {  	[tilespmem:s24], [sflag:$0x1] =	stream.indirect_vreg.gather [hbm4b:s7+s2], $0x80, v4, vm0, $0xb8;
	[tilespmem:$0x18100] =	vst v63  }
0x73: {  	s21 =	simm.s32 $0xD900  }
0x74: {  	[tilespmem:s21], [sflag:$0x1] =	stream.indirect_vreg.gather [hbm4b:s3+s2], $0x80, v3, vm0, $0xb8;
	[tilespmem:$0x18100] =	vst v63  }
0x75: {  	s22 =	simm.s32 $0xE100  }
0x76: {  	[tilespmem:s22], [sflag:$0x1] =	stream.indirect_vreg.gather [hbm4b:s6+s2], $0x80, v3, vm0, $0xb8;
	[tilespmem:$0x18100] =	vst v63  }
0x77: {  	s23 =	simm.s32 $0xE900  }
0x78: {  	[tilespmem:s23], [sflag:$0x1] =	stream.indirect_vreg.gather [hbm4b:s7+s2], $0x80, v3, vm0, $0xb8;
	[tilespmem:$0x18100] =	vst v63  }
0x79: {  	v3 =	vld [tilespmem:$0x90];
	_ =	sdelay $0x4  }
0x7a: {  	v4 =	vshrl.u32 v3, $0x3  }
0x7b: {  	v4 =	vmul.u32 $0x30, v4  }
0x7c: {  	v3 =	vand.u32 $0x7, v3  }
0x7d: {  	v3 =	vor.u32 v3, v4  }
0x7e: {  	v4 =	vperm.xlane v3, v0;
	_ =	sdelay $0x1  }
0x7f: {  	v4 =	vadd.s32 v1, v4;
	_ =	sdelay $0x3  }
0x80: {  	s24 =	simm.s32 $0xF100;
	v3 =	vperm.xlane v3, v2  }
0x81: {  	[tilespmem:s24], [sflag:$0x1] =	stream.indirect_vreg.gather [hbm4b:s3+s2], $0x80, v4, vm0, $0xb8;
	[tilespmem:$0x18100] =	vst v63  }
0x82: {  	s21 =	simm.s32 $0xF900;
	v3 =	vadd.s32 v1, v3  }
0x83: {  	[tilespmem:s21], [sflag:$0x1] =	stream.indirect_vreg.gather [hbm4b:s6+s2], $0x80, v4, vm0, $0xb8;
	[tilespmem:$0x18100] =	vst v63  }
0x84: {  	s22 =	simm.s32 $0x10100  }
0x85: {  	[tilespmem:s22], [sflag:$0x1] =	stream.indirect_vreg.gather [hbm4b:s7+s2], $0x80, v4, vm0, $0xb8;
	[tilespmem:$0x18100] =	vst v63  }
0x86: {  	s23 =	simm.s32 $0x10900  }
0x87: {  	[tilespmem:s23], [sflag:$0x1] =	stream.indirect_vreg.gather [hbm4b:s3+s2], $0x80, v3, vm0, $0xb8;
	[tilespmem:$0x18100] =	vst v63  }
0x88: {  	_ = 	snop  }
0x89: {  	[tilespmem:s25], [sflag:$0x1] =	stream.indirect_vreg.gather [hbm4b:s6+s2], $0x80, v3, vm0, $0xb8;
	[tilespmem:$0x18100] =	vst v63  }
0x8a: {  	_ = 	snop  }
0x8b: {  	[tilespmem:s26], [sflag:$0x1] =	stream.indirect_vreg.gather [hbm4b:s7+s2], $0x80, v3, vm0, $0xb8;
	[tilespmem:$0x18100] =	vst v63  }
0x8c: {  	v3 =	vld [tilespmem:$0xA0];
	_ =	sdelay $0x4  }
0x8d: {  	v4 =	vshrl.u32 v3, $0x3  }
0x8e: {  	v4 =	vmul.u32 $0x30, v4  }
0x8f: {  	v3 =	vand.u32 $0x7, v3  }
0x90: {  	v3 =	vor.u32 v3, v4  }
0x91: {  	v4 =	vperm.xlane v3, v0;
	_ =	sdelay $0x1  }
0x92: {  	v4 =	vadd.s32 v1, v4;
	_ =	sdelay $0x3  }
0x93: {  	v3 =	vperm.xlane v3, v2  }
0x94: {  	[tilespmem:s28], [sflag:$0x1] =	stream.indirect_vreg.gather [hbm4b:s3+s2], $0x80, v4, vm0, $0xb8;
	[tilespmem:$0x18100] =	vst v63  }
0x95: {  	v3 =	vadd.s32 v1, v3  }
0x96: {  	[tilespmem:s29], [sflag:$0x1] =	stream.indirect_vreg.gather [hbm4b:s6+s2], $0x80, v4, vm0, $0xb8;
	[tilespmem:$0x18100] =	vst v63  }
0x97: {  	_ = 	snop  }
0x98: {  	[tilespmem:s30], [sflag:$0x1] =	stream.indirect_vreg.gather [hbm4b:s7+s2], $0x80, v4, vm0, $0xb8;
	[tilespmem:$0x18100] =	vst v63  }
0x99: {  	_ = 	snop  }
0x9a: {  	[tilespmem:s31], [sflag:$0x1] =	stream.indirect_vreg.gather [hbm4b:s3+s2], $0x80, v3, vm0, $0xb8;
	[tilespmem:$0x18100] =	vst v63  }
0x9b: {  	_ = 	snop  }
0x9c: {  	[tilespmem:s0], [sflag:$0x1] =	stream.indirect_vreg.gather [hbm4b:s6+s2], $0x80, v3, vm0, $0xb8;
	[tilespmem:$0x18100] =	vst v63  }
0x9d: {  	_ = 	snop  }
0x9e: {  	[tilespmem:s1], [sflag:$0x1] =	stream.indirect_vreg.gather [hbm4b:s7+s2], $0x80, v3, vm0, $0xb8;
	[tilespmem:$0x18100] =	vst v63  }
0x9f: {  	v3 =	vld [tilespmem:$0xB0];
	_ =	sdelay $0x4  }
0xa0: {  	v4 =	vshrl.u32 v3, $0x3  }
0xa1: {  	v4 =	vmul.u32 $0x30, v4  }
0xa2: {  	v3 =	vand.u32 $0x7, v3  }
0xa3: {  	v3 =	vor.u32 v3, v4  }
0xa4: {  	v4 =	vperm.xlane v3, v0;
	_ =	sdelay $0x1  }
0xa5: {  	v4 =	vadd.s32 v1, v4;
	_ =	sdelay $0x3  }
0xa6: {  	v3 =	vperm.xlane v3, v2  }
0xa7: {  	[tilespmem:s11], [sflag:$0x1] =	stream.indirect_vreg.gather [hbm4b:s3+s2], $0x80, v4, vm0, $0xb8;
	[tilespmem:$0x18100] =	vst v63  }
0xa8: {  	v3 =	vadd.s32 v1, v3  }
0xa9: {  	[tilespmem:s13], [sflag:$0x1] =	stream.indirect_vreg.gather [hbm4b:s6+s2], $0x80, v4, vm0, $0xb8;
	[tilespmem:$0x18100] =	vst v63  }
0xaa: {  	_ = 	snop  }
0xab: {  	[tilespmem:s14], [sflag:$0x1] =	stream.indirect_vreg.gather [hbm4b:s7+s2], $0x80, v4, vm0, $0xb8;
	[tilespmem:$0x18100] =	vst v63  }
0xac: {  	_ = 	snop  }
0xad: {  	[tilespmem:s15], [sflag:$0x1] =	stream.indirect_vreg.gather [hbm4b:s3+s2], $0x80, v3, vm0, $0xb8;
	[tilespmem:$0x18100] =	vst v63  }
0xae: {  	_ = 	snop  }
0xaf: {  	[tilespmem:s16], [sflag:$0x1] =	stream.indirect_vreg.gather [hbm4b:s6+s2], $0x80, v3, vm0, $0xb8;
	[tilespmem:$0x18100] =	vst v63  }
0xb0: {  	_ = 	snop  }
0xb1: {  	[tilespmem:s17], [sflag:$0x1] =	stream.indirect_vreg.gather [hbm4b:s7+s2], $0x80, v3, vm0, $0xb8;
	[tilespmem:$0x18100] =	vst v63  }
0xb2: {  	_ =	swait.ge [sflag:s18], $0xC000  }
0xb3: {  	[sflag:s18] =	ssyncset.done $0x0  }
0xb4: {  	s24 =	simm.s32 $0x0;
	[sflag:s18] =	ssyncadd.s32 $0xFFFF4000  }
0xb5: {  	s20 =	smul.u32 $0x1800, s24;
	_ =	swait.ge [sflag:s18], $0xC000  }
0xb6: {  	s21 =	sand.u32 $0x380, s2;
	[sflag:s18] =	ssyncset.done $0x0  }
0xb7: {  	s20 =	sor.u32 s21, s20;
	[sflag:s18] =	ssyncadd.s32 $0xFFFF4000  }
0xb8: {  	v5 =	vld [tilespmem:s20+$0xC100]  }
0xb9: {  	v25 =	vld [tilespmem:s20+$0xC110]  }
0xba: {  	v26 =	vld [tilespmem:s20+$0xC120]  }
0xbb: {  	v27 =	vld [tilespmem:s20+$0xC130]  }
0xbc: {  	v28 =	vld [tilespmem:s20+$0xC140]  }
0xbd: {  	v29 =	vld [tilespmem:s20+$0xC150]  }
0xbe: {  	v30 =	vld [tilespmem:s20+$0xC160]  }
0xbf: {  	v31 =	vld [tilespmem:s20+$0xC170]  }
0xc0: {  	v32 =	vld [tilespmem:s20+$0xC500]  }
0xc1: {  	v33 =	vld [tilespmem:s20+$0xC510]  }
0xc2: {  	v34 =	vld [tilespmem:s20+$0xC520]  }
0xc3: {  	v35 =	vld [tilespmem:s20+$0xC530]  }
0xc4: {  	v36 =	vld [tilespmem:s20+$0xC540]  }
0xc5: {  	v37 =	vld [tilespmem:s20+$0xC550]  }
0xc6: {  	v38 =	vld [tilespmem:s20+$0xC560]  }
0xc7: {  	v39 =	vld [tilespmem:s20+$0xC570]  }
0xc8: {  	v40 =	vld [tilespmem:s20+$0xC900]  }
0xc9: {  	v41 =	vld [tilespmem:s20+$0xC910]  }
0xca: {  	v42 =	vld [tilespmem:s20+$0xC920]  }
0xcb: {  	v43 =	vld [tilespmem:s20+$0xC930]  }
0xcc: {  	v44 =	vld [tilespmem:s20+$0xC940]  }
0xcd: {  	v45 =	vld [tilespmem:s20+$0xC950]  }
0xce: {  	v46 =	vld [tilespmem:s20+$0xC960]  }
0xcf: {  	v47 =	vld [tilespmem:s20+$0xC970]  }
0xd0: {  	v48 =	vld [tilespmem:s20+$0xCD00]  }
0xd1: {  	v49 =	vld [tilespmem:s20+$0xCD10]  }
0xd2: {  	v24 =	vld [tilespmem:s20+$0xCD20]  }
0xd3: {  	v23 =	vld [tilespmem:s20+$0xCD30]  }
0xd4: {  	v22 =	vld [tilespmem:s20+$0xCD40]  }
0xd5: {  	v21 =	vld [tilespmem:s20+$0xCD50]  }
0xd6: {  	v20 =	vld [tilespmem:s20+$0xCD60]  }
0xd7: {  	v19 =	vld [tilespmem:s20+$0xCD70]  }
0xd8: {  	v18 =	vld [tilespmem:s20+$0xD100]  }
0xd9: {  	v17 =	vld [tilespmem:s20+$0xD110]  }
0xda: {  	v16 =	vld [tilespmem:s20+$0xD120]  }
0xdb: {  	v15 =	vld [tilespmem:s20+$0xD130]  }
0xdc: {  	v14 =	vld [tilespmem:s20+$0xD140]  }
0xdd: {  	v13 =	vld [tilespmem:s20+$0xD150]  }
0xde: {  	v12 =	vld [tilespmem:s20+$0xD160]  }
0xdf: {  	v11 =	vld [tilespmem:s20+$0xD170]  }
0xe0: {  	v10 =	vld [tilespmem:s20+$0xD500]  }
0xe1: {  	v9 =	vld [tilespmem:s20+$0xD510]  }
0xe2: {  	v8 =	vld [tilespmem:s20+$0xD520]  }
0xe3: {  	v7 =	vld [tilespmem:s20+$0xD530]  }
0xe4: {  	v6 =	vld [tilespmem:s20+$0xD540]  }
0xe5: {  	v4 =	vld [tilespmem:s20+$0xD550]  }
0xe6: {  	v50 =	vld [tilespmem:s20+$0x100]  }
0xe7: {  	v51 =	vld [tilespmem:s20+$0x110]  }
0xe8: {  	v52 =	vld [tilespmem:s20+$0x120]  }
0xe9: {  	v53 =	vld [tilespmem:s20+$0x130]  }
0xea: {  	v54 =	vld [tilespmem:s20+$0x140]  }
0xeb: {  	v62 =	vld [tilespmem:s20+$0x150]  }
0xec: {  	v63 =	vld [tilespmem:s20+$0x160]  }
0xed: {  	v56 =	vld [tilespmem:s20+$0x170];
	v5 =	vadd.f32 v5, v50  }
0xee: {  	v57 =	vld [tilespmem:s20+$0x500];
	v25 =	vadd.f32 v25, v51  }
0xef: {  	v60 =	vld [tilespmem:s20+$0x510];
	v26 =	vadd.f32 v26, v52;
	v55 =	vmul.f32 $5.000000000e-01, v5  }
0xf0: {  	v3 =	vld [tilespmem:s20+$0xD560];
	v27 =	vadd.f32 v27, v53;
	v25 =	vmul.f32 $5.000000000e-01, v25  }
0xf1: {  	v28 =	vadd.f32 v28, v54;
	v51 =	vld [tilespmem:s20+$0x520];
	v26 =	vmul.f32 $5.000000000e-01, v26;
	[tilespmem:s20+$0x100] =	vst v55  }
0xf2: {  	v59 =	vadd.f32 v29, v62;
	v50 =	vadd.f32 v31, v56;
	v56 =	vld [tilespmem:s20+$0x530];
	v58 =	vmul.f32 $5.000000000e-01, v27;
	[tilespmem:s20+$0x110] =	vst v25  }
0xf3: {  	v62 =	vadd.f32 v30, v63;
	v54 =	vadd.f32 v32, v57;
	v57 =	vld [tilespmem:s20+$0x540];
	v61 =	vmul.f32 $5.000000000e-01, v28;
	[tilespmem:s20+$0x120] =	vst v26  }
0xf4: {  	v29 =	vadd.f32 v33, v60;
	v60 =	vld [tilespmem:s20+$0x910];
	v63 =	vmul.f32 $5.000000000e-01, v59;
	[tilespmem:s20+$0x130] =	vst v58  }
0xf5: {  	v53 =	vld [tilespmem:s20+$0xD30];
	v52 =	vmul.f32 $5.000000000e-01, v62;
	[tilespmem:s20+$0x140] =	vst v61  }
0xf6: {  	v5 =	vld [tilespmem:s20+$0xD570];
	v28 =	vmul.f32 $5.000000000e-01, v54;
	[tilespmem:s20+$0x150] =	vst v63  }
0xf7: {  	v59 =	vld [tilespmem:s20+$0x550];
	v29 =	vmul.f32 $5.000000000e-01, v29;
	[tilespmem:s20+$0x160] =	vst v52;
	v30 =	vadd.f32 v34, v51  }
0xf8: {  	v62 =	vld [tilespmem:s20+$0x920];
	v55 =	vmul.f32 $5.000000000e-01, v50;
	[tilespmem:s20+$0x500] =	vst v28;
	v27 =	vadd.f32 v35, v56  }
0xf9: {  	v54 =	vld [tilespmem:s20+$0xD40];
	[tilespmem:s20+$0x510] =	vst v29;
	v26 =	vadd.f32 v36, v57;
	v30 =	vmul.f32 $5.000000000e-01, v30  }
0xfa: {  	v61 =	vld [tilespmem:s20+$0x560];
	v28 =	vadd.f32 v41, v60;
	[tilespmem:s20+$0x170] =	vst v55;
	v27 =	vmul.f32 $5.000000000e-01, v27  }
0xfb: {  	v63 =	vld [tilespmem:s20+$0x570];
	v23 =	vadd.f32 v23, v53;
	v26 =	vmul.f32 $5.000000000e-01, v26;
	[tilespmem:s20+$0x520] =	vst v30  }
0xfc: {  	v58 =	vld [tilespmem:s20+$0x900];
	v31 =	vadd.f32 v37, v59;
	v28 =	vmul.f32 $5.000000000e-01, v28;
	[tilespmem:s20+$0x530] =	vst v27  }
0xfd: {  	v52 =	vld [tilespmem:s20+$0xD20];
	v29 =	vadd.f32 v42, v62;
	v23 =	vmul.f32 $5.000000000e-01, v23;
	[tilespmem:s20+$0x540] =	vst v26  }
0xfe: {  	v36 =	vld [tilespmem:s20+$0x930];
	v22 =	vadd.f32 v22, v54;
	v31 =	vmul.f32 $5.000000000e-01, v31;
	[tilespmem:s20+$0x910] =	vst v28  }
0xff: {  	v56 =	vld [tilespmem:s20+$0xD60];
	v32 =	vadd.f32 v38, v61;
	v29 =	vmul.f32 $5.000000000e-01, v29;
	[tilespmem:s20+$0xD30] =	vst v23  }
0x100: {  	v57 =	vld [tilespmem:s20+$0xD70];
	v33 =	vadd.f32 v39, v63;
	v22 =	vmul.f32 $5.000000000e-01, v22;
	[tilespmem:s20+$0x550] =	vst v31  }
0x101: {  	v55 =	vld [tilespmem:s20+$0xD50];
	v25 =	vadd.f32 v40, v58;
	v32 =	vmul.f32 $5.000000000e-01, v32;
	[tilespmem:s20+$0x920] =	vst v29  }
0x102: {  	v37 =	vld [tilespmem:s20+$0x940];
	v24 =	vadd.f32 v24, v52;
	v33 =	vmul.f32 $5.000000000e-01, v33;
	[tilespmem:s20+$0xD40] =	vst v22  }
0x103: {  	v50 =	vld [tilespmem:s20+$0xD00];
	v30 =	vadd.f32 v43, v36;
	v25 =	vmul.f32 $5.000000000e-01, v25;
	[tilespmem:s20+$0x560] =	vst v32  }
0x104: {  	v51 =	vld [tilespmem:s20+$0xD10];
	v20 =	vadd.f32 v20, v56;
	v24 =	vmul.f32 $5.000000000e-01, v24;
	[tilespmem:s20+$0x570] =	vst v33  }
0x105: {  	v38 =	vld [tilespmem:s20+$0x950];
	v19 =	vadd.f32 v19, v57;
	v30 =	vmul.f32 $5.000000000e-01, v30;
	[tilespmem:s20+$0x900] =	vst v25  }
0x106: {  	v39 =	vld [tilespmem:s20+$0x960];
	v21 =	vadd.f32 v21, v55;
	v20 =	vmul.f32 $5.000000000e-01, v20;
	[tilespmem:s20+$0xD20] =	vst v24  }
0x107: {  	v40 =	vld [tilespmem:s20+$0x970];
	v27 =	vadd.f32 v44, v37;
	v19 =	vmul.f32 $5.000000000e-01, v19;
	[tilespmem:s20+$0x930] =	vst v30  }
0x108: {  	v59 =	vld [tilespmem:s20+$0x1110];
	v33 =	vadd.f32 v48, v50;
	v21 =	vmul.f32 $5.000000000e-01, v21;
	[tilespmem:s20+$0xD60] =	vst v20  }
0x109: {  	v60 =	vld [tilespmem:s20+$0x1120];
	v25 =	vadd.f32 v49, v51;
	v27 =	vmul.f32 $5.000000000e-01, v27;
	[tilespmem:s20+$0xD70] =	vst v19  }
0x10a: {  	v58 =	vld [tilespmem:s20+$0x1100];
	v26 =	vadd.f32 v45, v38;
	v33 =	vmul.f32 $5.000000000e-01, v33;
	[tilespmem:s20+$0xD50] =	vst v21  }
0x10b: {  	v61 =	vld [tilespmem:s20+$0x1130];
	v31 =	vadd.f32 v46, v39;
	v25 =	vmul.f32 $5.000000000e-01, v25;
	[tilespmem:s20+$0x940] =	vst v27  }
0x10c: {  	v23 =	vld [tilespmem:s20+$0x1140];
	v32 =	vadd.f32 v47, v40;
	v26 =	vmul.f32 $5.000000000e-01, v26;
	[tilespmem:s20+$0xD00] =	vst v33  }
0x10d: {  	v22 =	vld [tilespmem:s20+$0x1150];
	v20 =	vadd.f32 v17, v59;
	v31 =	vmul.f32 $5.000000000e-01, v31;
	[tilespmem:s20+$0xD10] =	vst v25  }
0x10e: {  	v19 =	vadd.f32 v16, v60;
	v21 =	vld [tilespmem:s20+$0x1160];
	v32 =	vmul.f32 $5.000000000e-01, v32;
	[tilespmem:s20+$0x950] =	vst v26  }
0x10f: {  	v62 =	vadd.f32 v18, v58;
	v18 =	vld [tilespmem:s20+$0x1170];
	v20 =	vmul.f32 $5.000000000e-01, v20;
	[tilespmem:s20+$0x960] =	vst v31  }
0x110: {  	v17 =	vld [tilespmem:s20+$0x1500];
	v15 =	vadd.f32 v15, v61;
	v63 =	vmul.f32 $5.000000000e-01, v19;
	[tilespmem:s20+$0x970] =	vst v32  }
0x111: {  	v16 =	vld [tilespmem:s20+$0x1510];
	v23 =	vadd.f32 v14, v23;
	v26 =	vmul.f32 $5.000000000e-01, v62;
	[tilespmem:s20+$0x1110] =	vst v20  }
0x112: {  	v14 =	vld [tilespmem:s20+$0x1520];
	v19 =	vmul.f32 $5.000000000e-01, v15;
	[tilespmem:s20+$0x1120] =	vst v63;
	v20 =	vadd.f32 v13, v22  }
0x113: {  	s21 =	simm.s32 $0x1;
	s22 =	simm.s32 $0x0;
	v15 =	vmul.f32 $5.000000000e-01, v23;
	[tilespmem:s20+$0x1100] =	vst v26;
	v13 =	vadd.f32 v12, v21;
	v12 =	vld [tilespmem:s20+$0x1530]  }
.LBB2_2:
0x114: {  	s23 =	sshrl.u32 s21, $0x3;
	p0 =	sne.s32 s21, $0x3F;
	[tilespmem:s20+$0x1130] =	vst v19;
	v19 =	vmul.f32 $5.000000000e-01, v20;
	v11 =	vadd.f32 v11, v18;
	v18 =	vld [tilespmem:s20+$0x1540]  }
0x115: {  	s22 =	sadd.s32 $0x80, s22;
	s23 =	smul.u32 $0x1800, s23;
	[tilespmem:s20+$0x1140] =	vst v15;
	v13 =	vmul.f32 $5.000000000e-01, v13;
	v10 =	vadd.f32 v10, v17;
	v15 =	vld [tilespmem:s20+$0x1550]  }
0x116: {  	s24 =	sand.u32 $0x380, s22;
	[tilespmem:s20+$0x1150] =	vst v19;
	v11 =	vmul.f32 $5.000000000e-01, v11;
	v9 =	vadd.f32 v9, v16;
	v16 =	vld [tilespmem:s20+$0x1560]  }
0x117: {  	s23 =	sor.u32 s24, s23;
	[tilespmem:s20+$0x1160] =	vst v13;
	v10 =	vmul.f32 $5.000000000e-01, v10;
	v8 =	vadd.f32 v8, v14;
	v13 =	vld [tilespmem:s20+$0x1570]  }
0x118: {  	v42 =	vld [tilespmem:s23+$0xC100];
	[tilespmem:s20+$0x1170] =	vst v11;
	v9 =	vmul.f32 $5.000000000e-01, v9;
	v7 =	vadd.f32 v7, v12  }
0x119: {  	v43 =	vld [tilespmem:s23+$0xC110];
	[tilespmem:s20+$0x1500] =	vst v10;
	v8 =	vmul.f32 $5.000000000e-01, v8;
	v6 =	vadd.f32 v6, v18  }
0x11a: {  	v44 =	vld [tilespmem:s23+$0xC120];
	[tilespmem:s20+$0x1510] =	vst v9;
	v7 =	vmul.f32 $5.000000000e-01, v7;
	v4 =	vadd.f32 v4, v15  }
0x11b: {  	v45 =	vld [tilespmem:s23+$0xC130];
	[tilespmem:s20+$0x1520] =	vst v8;
	v6 =	vmul.f32 $5.000000000e-01, v6;
	v3 =	vadd.f32 v3, v16  }
0x11c: {  	v46 =	vld [tilespmem:s23+$0xC140];
	[tilespmem:s20+$0x1530] =	vst v7;
	v4 =	vmul.f32 $5.000000000e-01, v4;
	v5 =	vadd.f32 v5, v13  }
0x11d: {  	v47 =	vld [tilespmem:s23+$0xC150];
	[tilespmem:s20+$0x1540] =	vst v6;
	v3 =	vmul.f32 $5.000000000e-01, v3  }
0x11e: {  	v48 =	vld [tilespmem:s23+$0xC160];
	[tilespmem:s20+$0x1550] =	vst v4;
	v4 =	vmul.f32 $5.000000000e-01, v5  }
0x11f: {  	v49 =	vld [tilespmem:s23+$0xC170];
	[tilespmem:s20+$0x1560] =	vst v3  }
0x120: {  	v50 =	vld [tilespmem:s23+$0xC500];
	[tilespmem:s20+$0x1570] =	vst v4;
	s20 =	smov.u32 s23  }
0x121: {  	v41 =	vld [tilespmem:s20+$0xC510]  }
0x122: {  	v40 =	vld [tilespmem:s20+$0xC520]  }
0x123: {  	v39 =	vld [tilespmem:s20+$0xC530]  }
0x124: {  	v38 =	vld [tilespmem:s20+$0xC540]  }
0x125: {  	v37 =	vld [tilespmem:s20+$0xC550]  }
0x126: {  	v36 =	vld [tilespmem:s20+$0xC560]  }
0x127: {  	v35 =	vld [tilespmem:s20+$0xC570]  }
0x128: {  	v34 =	vld [tilespmem:s20+$0xC900]  }
0x129: {  	v33 =	vld [tilespmem:s20+$0xC910]  }
0x12a: {  	v32 =	vld [tilespmem:s20+$0xC920]  }
0x12b: {  	v31 =	vld [tilespmem:s20+$0xC930]  }
0x12c: {  	v30 =	vld [tilespmem:s20+$0xC940]  }
0x12d: {  	v29 =	vld [tilespmem:s20+$0xC950]  }
0x12e: {  	v28 =	vld [tilespmem:s20+$0xC960]  }
0x12f: {  	v27 =	vld [tilespmem:s20+$0xC970]  }
0x130: {  	v26 =	vld [tilespmem:s20+$0xCD00]  }
0x131: {  	v25 =	vld [tilespmem:s20+$0xCD10]  }
0x132: {  	v24 =	vld [tilespmem:s20+$0xCD20]  }
0x133: {  	v23 =	vld [tilespmem:s20+$0xCD30]  }
0x134: {  	v22 =	vld [tilespmem:s20+$0xCD40]  }
0x135: {  	v21 =	vld [tilespmem:s20+$0xCD50]  }
0x136: {  	v20 =	vld [tilespmem:s20+$0xCD60]  }
0x137: {  	v19 =	vld [tilespmem:s20+$0xCD70]  }
0x138: {  	v18 =	vld [tilespmem:s20+$0xD100]  }
0x139: {  	v17 =	vld [tilespmem:s20+$0xD110]  }
0x13a: {  	v16 =	vld [tilespmem:s20+$0xD120]  }
0x13b: {  	v15 =	vld [tilespmem:s20+$0xD130]  }
0x13c: {  	v14 =	vld [tilespmem:s20+$0xD140]  }
0x13d: {  	v13 =	vld [tilespmem:s20+$0xD150]  }
0x13e: {  	v12 =	vld [tilespmem:s20+$0xD160]  }
0x13f: {  	v11 =	vld [tilespmem:s20+$0xD170]  }
0x140: {  	v10 =	vld [tilespmem:s20+$0xD500]  }
0x141: {  	v9 =	vld [tilespmem:s20+$0xD510]  }
0x142: {  	v8 =	vld [tilespmem:s20+$0xD520]  }
0x143: {  	v7 =	vld [tilespmem:s20+$0xD530]  }
0x144: {  	v6 =	vld [tilespmem:s20+$0xD540]  }
0x145: {  	v4 =	vld [tilespmem:s20+$0xD550]  }
0x146: {  	v3 =	vld [tilespmem:s20+$0xD560]  }
0x147: {  	v5 =	vld [tilespmem:s20+$0xD570]  }
0x148: {  	v51 =	vld [tilespmem:s20+$0x100]  }
0x149: {  	v52 =	vld [tilespmem:s20+$0x110]  }
0x14a: {  	v53 =	vld [tilespmem:s20+$0x120]  }
0x14b: {  	v54 =	vld [tilespmem:s20+$0x130]  }
0x14c: {  	v55 =	vld [tilespmem:s20+$0x140]  }
0x14d: {  	v42 =	vadd.f32 v42, v51;
	v51 =	vld [tilespmem:s20+$0x150]  }
0x14e: {  	v43 =	vadd.f32 v43, v52;
	v52 =	vld [tilespmem:s20+$0x160]  }
0x14f: {  	v42 =	vmul.f32 $5.000000000e-01, v42;
	v44 =	vadd.f32 v44, v53;
	v53 =	vld [tilespmem:s20+$0x170]  }
0x150: {  	v43 =	vmul.f32 $5.000000000e-01, v43;
	v45 =	vadd.f32 v45, v54;
	v54 =	vld [tilespmem:s20+$0x500]  }
0x151: {  	[tilespmem:s20+$0x100] =	vst v42;
	v42 =	vmul.f32 $5.000000000e-01, v44;
	v44 =	vadd.f32 v46, v55;
	v46 =	vld [tilespmem:s20+$0x510]  }
0x152: {  	[tilespmem:s20+$0x110] =	vst v43;
	v43 =	vmul.f32 $5.000000000e-01, v45;
	v45 =	vadd.f32 v47, v51;
	v47 =	vld [tilespmem:s20+$0x520]  }
0x153: {  	[tilespmem:s20+$0x120] =	vst v42;
	v42 =	vmul.f32 $5.000000000e-01, v44;
	v44 =	vadd.f32 v48, v52;
	v48 =	vld [tilespmem:s20+$0x530]  }
0x154: {  	[tilespmem:s20+$0x130] =	vst v43;
	v43 =	vmul.f32 $5.000000000e-01, v45;
	v45 =	vadd.f32 v49, v53;
	v49 =	vld [tilespmem:s20+$0x540]  }
0x155: {  	[tilespmem:s20+$0x140] =	vst v42;
	v42 =	vmul.f32 $5.000000000e-01, v44;
	v44 =	vadd.f32 v50, v54;
	v50 =	vld [tilespmem:s20+$0x550]  }
0x156: {  	[tilespmem:s20+$0x150] =	vst v43;
	v43 =	vmul.f32 $5.000000000e-01, v45;
	v41 =	vadd.f32 v41, v46;
	v45 =	vld [tilespmem:s20+$0x560]  }
0x157: {  	[tilespmem:s20+$0x160] =	vst v42;
	v42 =	vmul.f32 $5.000000000e-01, v44;
	v40 =	vadd.f32 v40, v47;
	v44 =	vld [tilespmem:s20+$0x570]  }
0x158: {  	[tilespmem:s20+$0x170] =	vst v43;
	v41 =	vmul.f32 $5.000000000e-01, v41;
	v39 =	vadd.f32 v39, v48;
	v43 =	vld [tilespmem:s20+$0x900]  }
0x159: {  	[tilespmem:s20+$0x500] =	vst v42;
	v40 =	vmul.f32 $5.000000000e-01, v40;
	v38 =	vadd.f32 v38, v49;
	v42 =	vld [tilespmem:s20+$0x910]  }
0x15a: {  	[tilespmem:s20+$0x510] =	vst v41;
	v39 =	vmul.f32 $5.000000000e-01, v39;
	v37 =	vadd.f32 v37, v50;
	v41 =	vld [tilespmem:s20+$0x920]  }
0x15b: {  	[tilespmem:s20+$0x520] =	vst v40;
	v38 =	vmul.f32 $5.000000000e-01, v38;
	v36 =	vadd.f32 v36, v45;
	v40 =	vld [tilespmem:s20+$0x930]  }
0x15c: {  	[tilespmem:s20+$0x530] =	vst v39;
	v37 =	vmul.f32 $5.000000000e-01, v37;
	v35 =	vadd.f32 v35, v44;
	v39 =	vld [tilespmem:s20+$0x940]  }
0x15d: {  	[tilespmem:s20+$0x540] =	vst v38;
	v36 =	vmul.f32 $5.000000000e-01, v36;
	v34 =	vadd.f32 v34, v43;
	v38 =	vld [tilespmem:s20+$0x950]  }
0x15e: {  	[tilespmem:s20+$0x550] =	vst v37;
	v35 =	vmul.f32 $5.000000000e-01, v35;
	v33 =	vadd.f32 v33, v42;
	v37 =	vld [tilespmem:s20+$0x960]  }
0x15f: {  	[tilespmem:s20+$0x560] =	vst v36;
	v34 =	vmul.f32 $5.000000000e-01, v34;
	v32 =	vadd.f32 v32, v41;
	v36 =	vld [tilespmem:s20+$0x970]  }
0x160: {  	[tilespmem:s20+$0x570] =	vst v35;
	v33 =	vmul.f32 $5.000000000e-01, v33;
	v31 =	vadd.f32 v31, v40;
	v35 =	vld [tilespmem:s20+$0xD00]  }
0x161: {  	[tilespmem:s20+$0x900] =	vst v34;
	v32 =	vmul.f32 $5.000000000e-01, v32;
	v30 =	vadd.f32 v30, v39;
	v34 =	vld [tilespmem:s20+$0xD10]  }
0x162: {  	[tilespmem:s20+$0x910] =	vst v33;
	v31 =	vmul.f32 $5.000000000e-01, v31;
	v29 =	vadd.f32 v29, v38;
	v33 =	vld [tilespmem:s20+$0xD20]  }
0x163: {  	[tilespmem:s20+$0x920] =	vst v32;
	v30 =	vmul.f32 $5.000000000e-01, v30;
	v28 =	vadd.f32 v28, v37;
	v32 =	vld [tilespmem:s20+$0xD30]  }
0x164: {  	[tilespmem:s20+$0x930] =	vst v31;
	v29 =	vmul.f32 $5.000000000e-01, v29;
	v27 =	vadd.f32 v27, v36;
	v31 =	vld [tilespmem:s20+$0xD40]  }
0x165: {  	[tilespmem:s20+$0x940] =	vst v30;
	v28 =	vmul.f32 $5.000000000e-01, v28;
	v26 =	vadd.f32 v26, v35;
	v30 =	vld [tilespmem:s20+$0xD50]  }
0x166: {  	[tilespmem:s20+$0x950] =	vst v29;
	v27 =	vmul.f32 $5.000000000e-01, v27;
	v25 =	vadd.f32 v25, v34;
	v29 =	vld [tilespmem:s20+$0xD60]  }
0x167: {  	[tilespmem:s20+$0x960] =	vst v28;
	v26 =	vmul.f32 $5.000000000e-01, v26;
	v24 =	vadd.f32 v24, v33;
	v28 =	vld [tilespmem:s20+$0xD70]  }
0x168: {  	[tilespmem:s20+$0x970] =	vst v27;
	v25 =	vmul.f32 $5.000000000e-01, v25;
	v23 =	vadd.f32 v23, v32;
	v27 =	vld [tilespmem:s20+$0x1100]  }
0x169: {  	[tilespmem:s20+$0xD00] =	vst v26;
	v24 =	vmul.f32 $5.000000000e-01, v24;
	v22 =	vadd.f32 v22, v31;
	v26 =	vld [tilespmem:s20+$0x1110]  }
0x16a: {  	[tilespmem:s20+$0xD10] =	vst v25;
	v23 =	vmul.f32 $5.000000000e-01, v23;
	v21 =	vadd.f32 v21, v30;
	v25 =	vld [tilespmem:s20+$0x1120]  }
0x16b: {  	[tilespmem:s20+$0xD20] =	vst v24;
	v22 =	vmul.f32 $5.000000000e-01, v22;
	v20 =	vadd.f32 v20, v29;
	v24 =	vld [tilespmem:s20+$0x1130]  }
0x16c: {  	[tilespmem:s20+$0xD30] =	vst v23;
	v21 =	vmul.f32 $5.000000000e-01, v21;
	v19 =	vadd.f32 v19, v28;
	v23 =	vld [tilespmem:s20+$0x1140]  }
0x16d: {  	[tilespmem:s20+$0xD40] =	vst v22;
	v20 =	vmul.f32 $5.000000000e-01, v20;
	v18 =	vadd.f32 v18, v27;
	v22 =	vld [tilespmem:s20+$0x1150]  }
0x16e: {  	[tilespmem:s20+$0xD50] =	vst v21;
	v19 =	vmul.f32 $5.000000000e-01, v19;
	v17 =	vadd.f32 v17, v26;
	v21 =	vld [tilespmem:s20+$0x1160]  }
.Ltmp0:
0x16f: {  	[tilespmem:s20+$0xD60] =	vst v20;
	v20 =	vmul.f32 $5.000000000e-01, v18;
	v16 =	vadd.f32 v16, v25;
	v18 =	vld [tilespmem:s20+$0x1170];
	(pc) =	sbr.rel @p0 .LBB2_2-.Ltmp0, $4  }
0x170: {  	[tilespmem:s20+$0xD70] =	vst v19;
	v19 =	vmul.f32 $5.000000000e-01, v17;
	v15 =	vadd.f32 v15, v24;
	v17 =	vld [tilespmem:s20+$0x1500]  }
0x171: {  	[tilespmem:s20+$0x1100] =	vst v20;
	v24 =	vmul.f32 $5.000000000e-01, v16;
	v23 =	vadd.f32 v14, v23;
	v16 =	vld [tilespmem:s20+$0x1510]  }
0x172: {  	[tilespmem:s20+$0x1110] =	vst v19;
	v19 =	vmul.f32 $5.000000000e-01, v15;
	v20 =	vadd.f32 v13, v22;
	v14 =	vld [tilespmem:s20+$0x1520]  }
0x173: {  	s21 =	sadd.s32 $0x1, s21;
	[tilespmem:s20+$0x1120] =	vst v24;
	v15 =	vmul.f32 $5.000000000e-01, v23;
	v13 =	vadd.f32 v12, v21;
	v12 =	vld [tilespmem:s20+$0x1530]  }
0x174: {  	[tilespmem:s20+$0x1130] =	vst v19;
	v59 =	vld [tilespmem:s20+$0x1540];
	v20 =	vmul.f32 $5.000000000e-01, v20;
	v11 =	vadd.f32 v11, v18  }
0x175: {  	v60 =	vld [tilespmem:s20+$0x1550];
	[tilespmem:s20+$0x1140] =	vst v15;
	v13 =	vmul.f32 $5.000000000e-01, v13;
	v10 =	vadd.f32 v10, v17  }
0x176: {  	v61 =	vld [tilespmem:s20+$0x1560];
	[tilespmem:s20+$0x1150] =	vst v20;
	v11 =	vmul.f32 $5.000000000e-01, v11;
	v9 =	vadd.f32 v9, v16  }
0x177: {  	v62 =	vld [tilespmem:s20+$0x1570];
	[tilespmem:s20+$0x1160] =	vst v13;
	v10 =	vmul.f32 $5.000000000e-01, v10;
	v8 =	vadd.f32 v8, v14  }
0x178: {  	[tilespmem:s20+$0x1170] =	vst v11;
	v9 =	vmul.f32 $5.000000000e-01, v9;
	v7 =	vadd.f32 v7, v12  }
0x179: {  	[tilespmem:s20+$0x1500] =	vst v10;
	v8 =	vmul.f32 $5.000000000e-01, v8;
	v6 =	vadd.f32 v6, v59  }
0x17a: {  	v4 =	vadd.f32 v4, v60;
	[tilespmem:s20+$0x1510] =	vst v9;
	v7 =	vmul.f32 $5.000000000e-01, v7  }
0x17b: {  	v3 =	vadd.f32 v3, v61;
	[tilespmem:s20+$0x1520] =	vst v8;
	v6 =	vmul.f32 $5.000000000e-01, v6  }
0x17c: {  	v5 =	vadd.f32 v5, v62;
	v4 =	vmul.f32 $5.000000000e-01, v4;
	[tilespmem:s20+$0x1530] =	vst v7  }
0x17d: {  	v3 =	vmul.f32 $5.000000000e-01, v3;
	[tilespmem:s20+$0x1540] =	vst v6  }
0x17e: {  	s19 =	sadd.s32 $0x1, s19;
	v63 =	vmul.f32 $5.000000000e-01, v5;
	[tilespmem:s20+$0x1550] =	vst v4  }
0x17f: {  	p0 =	sne.s32 s19, s9;
	[tilespmem:s20+$0x1560] =	vst v3  }
.Ltmp1:
0x180: {  	[tilespmem:s20+$0x1570] =	vst v63;
	(pc) =	sbr.rel @p0 .LBB2_1-.Ltmp1, $4  }
0x181: {  	[hbm4b:s8+s2] =	stream.linear.scatter [tilespmem:s12], [sflag:$0x2], $0xC000, $0x38;
	[tilespmem:$0x18100] =	vst v63  }
0x182: {  	_ =	swait.ge [sflag:s10], $0xC000  }
0x183: {  	[sflag:s10] =	ssyncset.done $0x0  }
0x184: {  	[sflag:s10] =	ssyncadd.s32 $0xFFFF4000  }
0x185: {  	_ =	sfence.sel $0x180000  }
0x186: {  	[bflag:$0x0] =	sbarrier.arrive $0xFFFF  }
0x187: {  	_ =	strace $0x9000004A  }
0x188: {  	s0 =	stileid.u32;
	[bflag:$0x2] =	sbarrier.arrive $0xFFFF  }
0x189: {  	p0 =	sne.s32 s0, $0x0;
	s0 =	rddreg [dreg:$0x2]  }
0x18a: {  	s0 =	sadd.s32 @!p0 $0x100000, s0  }
0x18b: {  	[sflag:s0] =	ssyncadd.tile.s32 @!p0 $0x1;
	_ =	shalt  }
.Lfunc_end2:
_tile_overlayer_lowered:
.L_overlay_start_2:
0x18c: {  	(tag) =	ssettag $0x2  }
0x18d: {  	s0 =	rddreg [dreg:$0x0];
	s2 =	stileid.u32  }
0x18e: {  	s1 =	rddreg [dreg:$0x1];
	p0 =	sne.s32 s2, $0x0  }
0x18f: {  	s3 =	rddreg [dreg:$0x2];
	[bflag:$0x3] =	sbarrier.arrive $0xFFFF;
	s2 =	simm.s32 @!p0 $0x1C02  }
0x190: {  	[timem:s3], [sflag:s2] =	dma.local @!p0 [hbm:s0], s1  }
0x191: {  	s0 =	simm.s32 @!p0 $0x2  }
0x192: {  	_ =	swait.ge @!p0 [sflag:s0], s1  }
0x193: {  	s1 =	ssub.s32 @!p0 $0x0, s1;
	[sflag:s0] =	ssyncset.done @!p0 $0x0  }
0x194: {  	[sflag:s0] =	ssyncadd.s32 @!p0 s1  }
0x195: {  	[bflag:$0x3] =	sbarrier.arrive $0xFFFF  }
0x196: {  	_ =	shalt  }

</sc_bundles>
